<compile_context>
chip_gen: v7x
topology: tpu7x:2x2x1
jax: 0.10.2.dev20260603
libtpu: 0.0.44.dev20260713+nightly
codegen_flags: <defaults>
</compile_context>

<pallas_src>
import functools

import jax
import jax.numpy as jnp
from jax import lax
from jax.experimental import pallas as pl
from jax.experimental.pallas import tpu as pltpu
from jax.experimental.pallas import tpu_sc as plsc

KNN = 10
EPS = 1e-5
BIGF = 3.0e38
CT11 = (((1,), (1,)), ((), ()))
HI = jax.lax.Precision.HIGHEST


def _lrelu(x):
    return jnp.where(x > 0, x, 0.2 * x)


def _topk_body(n_total, tq, pts_ref, cf_ref, x_ref, w_ref,
               idx_ref, u_ref, v_ref):
    b = pl.program_id(0)
    t = pl.program_id(1)
    x = x_ref[0]
    w = w_ref[...]
    ci = w.shape[1] // 2
    wa = w[:, :ci] - w[:, ci:]
    wb = w[:, ci:]
    u_ref[0] = lax.dot_general(x, wa, CT11,
                               preferred_element_type=jnp.float32, precision=HI)
    v_ref[...] = lax.dot_general(x, wb, CT11,
                                 preferred_element_type=jnp.float32, precision=HI)
    a = pts_ref[0]
    c = cf_ref[0]
    g = lax.dot_general(a, c, (((1,), (0,)), ((), ())),
                        preferred_element_type=jnp.float32,
                        precision=lax.Precision.DEFAULT)
    n2r = jnp.sum(a * a, axis=1, keepdims=True)
    n2c = jnp.sum(c * c, axis=0, keepdims=True)
    d = jnp.maximum((-2.0 * g + n2r) + n2c, 1e-12)
    colid = lax.broadcasted_iota(jnp.int32, d.shape, 1)
    base = b * n_total
    for kk in range(KNN + 1):
        rowmin = jnp.min(d, axis=1, keepdims=True)
        amin = jnp.min(jnp.where(d == rowmin, colid, n_total),
                       axis=1, keepdims=True)
        if kk > 0:
            idx_ref[0, :, kk - 1:kk] = amin + base
        if kk <= KNN - 1:
            d = jnp.where(colid == amin, BIGF, d)


def _topk_call(pts8, cf8, ftT, w1):
    B, N, _ = pts8.shape
    Cin = ftT.shape[2]
    Cout = w1.shape[0]
    TQ = 512
    NT = N // TQ
    grid = (B, NT)
    return pl.pallas_call(
        functools.partial(_topk_body, N, TQ),
        grid=grid,
        in_specs=[
            pl.BlockSpec((1, TQ, 8), lambda b, t: (b, t, 0)),
            pl.BlockSpec((1, 8, N), lambda b, t: (b, 0, 0)),
            pl.BlockSpec((1, TQ, Cin), lambda b, t: (b, t, 0)),
            pl.BlockSpec(w1.shape, lambda b, t: (0, 0)),
        ],
        out_specs=[
            pl.BlockSpec((1, TQ, 16), lambda b, t: (b, t, 0)),
            pl.BlockSpec((1, TQ, Cout), lambda b, t: (b, t, 0)),
            pl.BlockSpec((TQ, Cout), lambda b, t: (b * NT + t, 0)),
        ],
        out_shape=[
            jax.ShapeDtypeStruct((B, N, 16), jnp.int32),
            jax.ShapeDtypeStruct((B, N, Cout), jnp.float32),
            jax.ShapeDtypeStruct((B * N, Cout), jnp.float32),
        ],
    )(pts8, cf8, ftT, w1)


def _sc_gather(table, gidx):
    R, D = table.shape
    M = gidx.shape[0]
    NW = 32
    b_per_w = M // NW
    CH = 131072 // (D * table.dtype.itemsize)
    n_pairs = b_per_w // (2 * CH)
    mesh = plsc.VectorSubcoreMesh(core_axis_name="c", subcore_axis_name="s")

    @functools.partial(
        pl.kernel, mesh=mesh,
        out_type=jax.ShapeDtypeStruct((M, D), table.dtype),
        scratch_types=[
            pltpu.VMEM((b_per_w,), jnp.int32),
            pltpu.VMEM((CH, D), table.dtype),
            pltpu.VMEM((CH, D), table.dtype),
            pltpu.SemaphoreType.DMA,
            pltpu.SemaphoreType.DMA,
            pltpu.SemaphoreType.DMA,
            pltpu.SemaphoreType.DMA,
        ],
    )
    def k(table_hbm, idx_hbm, out_hbm, idx_all, r0, r1, sg0, sg1, s0, s1):
        wid = lax.axis_index("s") * 2 + lax.axis_index("c")
        base = wid * b_per_w
        pltpu.sync_copy(idx_hbm.at[pl.ds(base, b_per_w)], idx_all)

        @pl.loop(0, n_pairs)
        def _(t):
            o0 = 2 * t * CH
            o1 = o0 + CH

            @pl.when(t > 0)
            def _():
                pltpu.make_async_copy(
                    r0, out_hbm.at[pl.ds(base + o0 - 2 * CH, CH)], s0).wait()

            h0 = pltpu.async_copy(
                table_hbm.at[idx_all.at[pl.ds(o0, CH)]], r0, sg0)

            @pl.when(t > 0)
            def _():
                pltpu.make_async_copy(
                    r1, out_hbm.at[pl.ds(base + o1 - 2 * CH, CH)], s1).wait()

            h1 = pltpu.async_copy(
                table_hbm.at[idx_all.at[pl.ds(o1, CH)]], r1, sg1)
            h0.wait()
            pltpu.async_copy(r0, out_hbm.at[pl.ds(base + o0, CH)], s0)
            h1.wait()
            pltpu.async_copy(r1, out_hbm.at[pl.ds(base + o1, CH)], s1)

        last0 = b_per_w - 2 * CH
        pltpu.make_async_copy(
            r0, out_hbm.at[pl.ds(base + last0, CH)], s0).wait()
        pltpu.make_async_copy(
            r1, out_hbm.at[pl.ds(base + last0 + CH, CH)], s1).wait()

    return k(table, gidx)


def _k_reduce(g_ref):
    g0 = g_ref[0].astype(jnp.float32)
    mx = g0
    sm = g0
    s2 = g0 * g0
    for kk in range(1, KNN):
        gk = g_ref[kk].astype(jnp.float32)
        mx = jnp.maximum(mx, gk)
        sm = sm + gk
        s2 = s2 + gk * gk
    return mx, sm, s2


def _edge_stat_rows(u, sm, s2):
    su = jnp.sum(u, axis=0, keepdims=True)
    su2 = jnp.sum(u * u, axis=0, keepdims=True)
    sv = jnp.sum(sm, axis=0, keepdims=True)
    sv2 = jnp.sum(s2, axis=0, keepdims=True)
    cx = jnp.sum(u * sm, axis=0, keepdims=True)
    z = jnp.zeros_like(su)
    return jnp.concatenate([su, su2, sv, sv2, cx, z, z, z], axis=0)


def _edge_stats(st, n_total):
    su, su2, sv, sv2, cx = (st[0:1], st[1:2], st[2:3], st[3:4], st[4:5])
    inv = 1.0 / (n_total * KNN)
    mean = (KNN * su + sv) * inv
    ex2 = (KNN * su2 + 2.0 * cx + sv2) * inv
    var = ex2 - mean * mean
    return mean, lax.rsqrt(var + EPS)


def _l1_body(nt, tb, n_total, g_ref, u_ref, w_ref, x_ref, u2_ref, v2_ref,
             pre_s, st_s):
    t = pl.program_id(1)

    @pl.when(t < nt)
    def _():
        mx, sm, s2 = _k_reduce(g_ref)
        u = u_ref[0]
        pre_s[pl.ds(t * tb, tb), :] = u + mx
        st = _edge_stat_rows(u, sm, s2)

        @pl.when(t == 0)
        def _():
            st_s[...] = st

        @pl.when(t > 0)
        def _():
            st_s[...] = st_s[...] + st

    @pl.when(t >= nt)
    def _():
        tt = t - nt
        mean, rstd = _edge_stats(st_s[...], n_total)
        x = _lrelu((pre_s[pl.ds(tt * tb, tb), :] - mean) * rstd)
        x_ref[0] = x
        w = w_ref[...]
        ci = w.shape[1] // 2
        wa = w[:, :ci] - w[:, ci:]
        wb = w[:, ci:]
        u2_ref[0] = lax.dot_general(
            x, wa, CT11, preferred_element_type=jnp.float32, precision=HI)
        v2_ref[...] = lax.dot_general(
            x, wb, CT11, preferred_element_type=jnp.float32, precision=HI)


def _l1_call(g, u, w):
    B, N, Cw = u.shape
    Cout = w.shape[0]
    TB = 512
    NT = N // TB
    grid = (B, 2 * NT)
    return pl.pallas_call(
        functools.partial(_l1_body, NT, TB, N),
        grid=grid,
        in_specs=[
            pl.BlockSpec((KNN, TB, Cw),
                         lambda b, t: (0, b * NT + jnp.where(t < NT, t, 0), 0)),
            pl.BlockSpec((1, TB, Cw),
                         lambda b, t: (b, jnp.where(t < NT, t, 0), 0)),
            pl.BlockSpec(w.shape, lambda b, t: (0, 0)),
        ],
        out_specs=[
            pl.BlockSpec((1, TB, Cw),
                         lambda b, t: (b, jnp.where(t < NT, 0, t - NT), 0)),
            pl.BlockSpec((1, TB, Cout),
                         lambda b, t: (b, jnp.where(t < NT, 0, t - NT), 0)),
            pl.BlockSpec((TB, Cout),
                         lambda b, t: (b * NT + jnp.where(t < NT, 0, t - NT),
                                       0)),
        ],
        out_shape=[
            jax.ShapeDtypeStruct((B, N, Cw), jnp.float32),
            jax.ShapeDtypeStruct((B, N, Cout), jnp.float32),
            jax.ShapeDtypeStruct((B * N, Cout), jnp.float32),
        ],
        scratch_shapes=[
            pltpu.VMEM((N, Cw), jnp.float32),
            pltpu.VMEM((8, Cw), jnp.float32),
        ],
    )(g, u, w)


def _l2_body(nt, tb, n_total, c, g_ref, u_ref, ft_ref, x1_ref, w_ref,
             out_ref, pre_s, y_s, st2_s, st3_s):
    t = pl.program_id(1)

    @pl.when(t < nt)
    def _():
        mx, sm, s2 = _k_reduce(g_ref)
        u = u_ref[0]
        pre_s[pl.ds(t * tb, tb), :] = u + mx
        st = _edge_stat_rows(u, sm, s2)

        @pl.when(t == 0)
        def _():
            st2_s[...] = st

        @pl.when(t > 0)
        def _():
            st2_s[...] = st2_s[...] + st

    @pl.when(jnp.logical_and(t >= nt, t < 2 * nt))
    def _():
        tt = t - nt
        mean, rstd = _edge_stats(st2_s[...], n_total)
        x2 = _lrelu((pre_s[pl.ds(tt * tb, tb), :] - mean) * rstd)
        w = w_ref[...]
        y = lax.dot_general(ft_ref[0], w[:, :c], CT11,
                            preferred_element_type=jnp.float32, precision=HI)
        y = y + lax.dot_general(x1_ref[0], w[:, c:2 * c], CT11,
                                preferred_element_type=jnp.float32,
                                precision=HI)
        y = y + lax.dot_general(x2, w[:, 2 * c:], CT11,
                                preferred_element_type=jnp.float32,
                                precision=HI)
        y_s[pl.ds(tt * tb, tb), :] = y
        sy = jnp.sum(y, axis=0, keepdims=True)
        sy2 = jnp.sum(y * y, axis=0, keepdims=True)
        z = jnp.zeros_like(sy)
        st = jnp.concatenate([sy, sy2, z, z, z, z, z, z], axis=0)

        @pl.when(tt == 0)
        def _():
            st3_s[...] = st

        @pl.when(tt > 0)
        def _():
            st3_s[...] = st3_s[...] + st

    @pl.when(t >= 2 * nt)
    def _():
        tt = t - 2 * nt
        st = st3_s[...]
        mean = st[0:1] / n_total
        var = st[1:2] / n_total - mean * mean
        out_ref[0] = _lrelu(
            (y_s[pl.ds(tt * tb, tb), :] - mean) * lax.rsqrt(var + EPS))


def _l2_call(g, u2, ftT, x1, w3):
    B, N, C2 = u2.shape
    C = ftT.shape[2]
    TB = 512
    NT = N // TB
    grid = (B, 3 * NT)
    return pl.pallas_call(
        functools.partial(_l2_body, NT, TB, N, C),
        grid=grid,
        in_specs=[
            pl.BlockSpec((KNN, TB, C2),
                         lambda b, t: (0, b * NT + jnp.where(t < NT, t, 0), 0)),
            pl.BlockSpec((1, TB, C2),
                         lambda b, t: (b, jnp.where(t < NT, t, 0), 0)),
            pl.BlockSpec((1, TB, C),
                         lambda b, t: (b, jnp.where(
                             jnp.logical_and(t >= NT, t < 2 * NT),
                             t - NT, 0), 0)),
            pl.BlockSpec((1, TB, C),
                         lambda b, t: (b, jnp.where(
                             jnp.logical_and(t >= NT, t < 2 * NT),
                             t - NT, 0), 0)),
            pl.BlockSpec(w3.shape, lambda b, t: (0, 0)),
        ],
        out_specs=pl.BlockSpec(
            (1, TB, C),
            lambda b, t: (b, jnp.where(t < 2 * NT, 0, t - 2 * NT), 0)),
        out_shape=jax.ShapeDtypeStruct((B, N, C), jnp.float32),
        scratch_shapes=[
            pltpu.VMEM((N, C2), jnp.float32),
            pltpu.VMEM((N, C), jnp.float32),
            pltpu.VMEM((8, C2), jnp.float32),
            pltpu.VMEM((8, C), jnp.float32),
        ],
    )(g, u2, ftT, x1, w3)


def kernel(coords, features, W1, W2, W3):
    B, C, N = features.shape
    pts = jnp.transpose(coords, (0, 2, 1))
    pts8 = jnp.concatenate(
        [pts, jnp.zeros((B, N, 5), jnp.float32)], axis=2)
    cf8 = jnp.concatenate(
        [coords, jnp.zeros((B, 5, N), jnp.float32)], axis=1)
    ftT = jnp.transpose(features, (0, 2, 1))

    idx16, u1, v1 = _topk_call(pts8, cf8, ftT, W1)
    gidx = jnp.transpose(idx16[:, :, :KNN], (2, 0, 1)).reshape(-1)
    g1 = _sc_gather(v1, gidx).reshape(KNN, B * N, C)
    x1, u2, v2 = _l1_call(g1, u1, W2)
    g2 = _sc_gather(v2, gidx).reshape(KNN, B * N, 2 * C)
    out = _l2_call(g2, u2, ftT, x1, W3)
    return jnp.transpose(out, (0, 2, 1))

# --- scband reference (transcript-rebuilt; emitter-appended) ---
"""Pipeline reference for scband-self-attention-24790551232578 (READ-ONLY COPY).

The authoritative reference and input builder live on the scoring server;
editing this copy changes nothing except your own understanding.
"""

import jax, jax.numpy as jnp
import numpy as np

K_NEIGHBORS = 10

def square_distance(src, dst):
    dist = -2.0 * jnp.matmul(src, jnp.transpose(dst, (0, 2, 1)))
    dist = dist + jnp.sum(src ** 2, axis=-1)[:, :, None]
    dist = dist + jnp.sum(dst ** 2, axis=-1)[:, None, :]
    return jnp.clip(dist, 1e-12, None)

def get_graph_feature(coords, feats, k):
    B, C, N = feats.shape
    pts = jnp.transpose(coords, (0, 2, 1))
    dist = square_distance(pts, pts)
    _, idx = jax.lax.top_k(-dist, k + 1)
    idx = idx[:, :, 1:]
    neighbor_feats = jax.vmap(lambda f, i: f[:, i])(feats, idx)
    f = jnp.broadcast_to(feats[:, :, :, None], (B, C, N, k))
    return jnp.concatenate([f, neighbor_feats - f], axis=1)

def conv1x1(x, W):
    return jnp.einsum('oc,bcnk->bonk', W, x)

def instnorm(x, eps=1e-5):
    m = jnp.mean(x, axis=(2, 3), keepdims=True)
    v = jnp.var(x, axis=(2, 3), keepdims=True)
    return (x - m) / jnp.sqrt(v + eps)

def lrelu(x):
    return jnp.where(x > 0, x, 0.2 * x)

def setup_inputs(seed: int = 0) -> dict:
    key = jax.random.key(seed)
    ks = jax.random.split(key, 5)
    B, C, N = 2, 128, 4096
    coords = jax.random.normal(ks[0], (B, 3, N), dtype=jnp.float32)
    features = jax.random.normal(ks[1], (B, C, N), dtype=jnp.float32)
    W1 = jax.random.normal(ks[2], (C, 2 * C), dtype=jnp.float32) * 0.05
    W2 = jax.random.normal(ks[3], (2 * C, 2 * C), dtype=jnp.float32) * 0.05
    W3 = jax.random.normal(ks[4], (C, 4 * C), dtype=jnp.float32) * 0.05
    return {"coords": coords, "features": features, "W1": W1, "W2": W2, "W3": W3}

def reference(coords, features, W1, W2, W3):
    k = K_NEIGHBORS
    B, C, N = features.shape
    x0 = features[:, :, :, None]
    x1 = get_graph_feature(coords, features, k)
    x1 = lrelu(instnorm(conv1x1(x1, W1)))
    x1 = jnp.max(x1, axis=-1, keepdims=True)
    x2 = get_graph_feature(coords, x1[..., 0], k)
    x2 = lrelu(instnorm(conv1x1(x2, W2)))
    x2 = jnp.max(x2, axis=-1, keepdims=True)
    x3 = jnp.concatenate([x0, x1, x2], axis=1)
    x3 = lrelu(instnorm(conv1x1(x3, W3)))
    return x3.reshape(B, -1, N)

if __name__ == "__main__":
    import jax
    _d = setup_inputs()
    print(jax.jit(kernel)(*tuple(_d.values())))

</pallas_src>

<mosaic_0001>
#map = affine_map<(d0, d1) -> (0, 0)>
#map1 = affine_map<(d0, d1) -> (0)>
module attributes {stable_mosaic.version = 14 : i64} {
  func.func @k(%arg0: i32, %arg1: i32, %arg2: memref<8192x128xf32, #tpu.memory_space<hbm>>, %arg3: memref<81920xi32, #tpu.memory_space<hbm>>, %arg4: memref<81920x128xf32, #tpu.memory_space<hbm>>, %arg5: memref<2560xi32, #tpu.memory_space<vmem>>, %arg6: memref<256x128xf32, #tpu.memory_space<vmem>>, %arg7: memref<256x128xf32, #tpu.memory_space<vmem>>, %arg8: memref<!tpu.dma_semaphore, #tpu.memory_space<semaphore_mem>>, %arg9: memref<!tpu.dma_semaphore, #tpu.memory_space<semaphore_mem>>, %arg10: memref<!tpu.dma_semaphore, #tpu.memory_space<semaphore_mem>>, %arg11: memref<!tpu.dma_semaphore, #tpu.memory_space<semaphore_mem>>) attributes {dimension_semantics = [#tpu.dimension_semantics<core_parallel>, #tpu.dimension_semantics<subcore_parallel>], iteration_bounds = array<i64: 2, 16>, scalar_prefetch = 0 : i64, scratch_operands = 7 : i64, tpu.core_type = #tpu.core_type<sc_vector_subcore>, window_params = [{transform_indices = #map}, {transform_indices = #map1}, {transform_indices = #map}]} {
    %mul3A = arith.constant 2 : i32
    %mul3A_0 = arith.muli %arg1, %mul3A : i32
    %add3A = arith.addi %mul3A_0, %arg0 : i32
    %mul3A_1 = arith.constant 2560 : i32
    %mul3A_2 = arith.muli %add3A, %mul3A_1 : i32
    "tpu.region"() ({
      %run_scoped3A = tpu.sem_alloc : memref<!tpu.dma_semaphore, #tpu.memory_space<semaphore_mem>>
      %dma_start3A = tpu.memref_slice %arg3[%mul3A_2] : memref<81920xi32, #tpu.memory_space<hbm>> -> memref<2560xi32, #tpu.memory_space<hbm>>
      %dma_start3A_20 = tpu.memref_slice %arg3[%mul3A_2] : memref<81920xi32, #tpu.memory_space<hbm>> -> memref<2560xi32, #tpu.memory_space<hbm>>
      tpu.enqueue_dma source(%dma_start3A_20 : memref<2560xi32, #tpu.memory_space<hbm>>) target(%arg5 : memref<2560xi32, #tpu.memory_space<vmem>>) target_semaphore(%run_scoped3A : memref<!tpu.dma_semaphore, #tpu.memory_space<semaphore_mem>>)
      %dma_wait3A_21 = tpu.memref_slice %arg3[%mul3A_2] : memref<81920xi32, #tpu.memory_space<hbm>> -> memref<2560xi32, #tpu.memory_space<hbm>>
      %dma_wait3A_22 = tpu.memref_slice %arg3[%mul3A_2] : memref<81920xi32, #tpu.memory_space<hbm>> -> memref<2560xi32, #tpu.memory_space<hbm>>
      tpu.wait_dma2 semaphore(%run_scoped3A : memref<!tpu.dma_semaphore, #tpu.memory_space<semaphore_mem>>) src(%dma_wait3A_22 : memref<2560xi32, #tpu.memory_space<hbm>>) dst(%arg5 : memref<2560xi32, #tpu.memory_space<vmem>>)
      tpu.yield
    }) : () -> ()
    %scan3A = arith.constant 0 : i32
    %scan3A_3 = arith.constant 5 : i32
    %scan3A_4 = arith.addi %scan3A, %scan3A_3 : i32
    %scan3A_5 = arith.constant 1 : i32
    scf.for %scan3A_20 = %scan3A to %scan3A_4 step %scan3A_5  : i32 {
      %mul3A_21 = arith.constant 1 : i32
      %mul3A_22 = arith.muli %scan3A_20, %mul3A_21 : i32
      %add3A_23 = arith.constant 0 : i32
      %add3A_24 = arith.addi %add3A_23, %mul3A_22 : i32
      %mul3A_25 = arith.constant 2 : i32
      %mul3A_26 = arith.muli %mul3A_25, %add3A_24 : i32
      %mul3A_27 = arith.constant 256 : i32
      %mul3A_28 = arith.muli %mul3A_26, %mul3A_27 : i32
      %add3A_29 = arith.constant 256 : i32
      %add3A_30 = arith.addi %mul3A_28, %add3A_29 : i32
      %gt3A = arith.constant 0 : i32
      %gt3A_31 = arith.cmpi sgt, %add3A_24, %gt3A : i32
      %convert_element_type3A = arith.extui %gt3A_31 : i1 to i32
      %cond3A = arith.constant 0 : i32
      %cond3A_32 = arith.cmpi ne, %convert_element_type3A, %cond3A : i32
      scf.if %cond3A_32 {
        %add3A_63 = arith.addi %mul3A_2, %mul3A_28 : i32
        %sub3A = arith.constant 512 : i32
        %sub3A_64 = arith.subi %add3A_63, %sub3A : i32
        %dma_wait3A_65 = arith.constant 0 : i32
        %dma_wait3A_66 = tpu.memref_slice %arg4[%sub3A_64, %dma_wait3A_65] : memref<81920x128xf32, #tpu.memory_space<hbm>> -> memref<256x128xf32, #tpu.memory_space<hbm>>
        %dma_wait3A_67 = arith.constant 0 : i32
        %dma_wait3A_68 = tpu.memref_slice %arg4[%sub3A_64, %dma_wait3A_67] : memref<81920x128xf32, #tpu.memory_space<hbm>> -> memref<256x128xf32, #tpu.memory_space<hbm>>
        tpu.wait_dma2 semaphore(%arg10 : memref<!tpu.dma_semaphore, #tpu.memory_space<semaphore_mem>>) src(%arg6 : memref<256x128xf32, #tpu.memory_space<vmem>>) dst(%dma_wait3A_68 : memref<256x128xf32, #tpu.memory_space<hbm>>)
      } else {
      }
      %dma_start3A = tpu.memref_slice %arg5[%mul3A_28] : memref<2560xi32, #tpu.memory_space<vmem>> -> memref<256xi32, #tpu.memory_space<vmem>>
      %dma_start3A_33 = arith.constant 0 : i32
      %dma_start3A_34 = arith.constant 0 : i32
      %dma_start3A_35 = tpu.memref_slice %arg2[%dma_start3A_33, %dma_start3A_34] : memref<8192x128xf32, #tpu.memory_space<hbm>> -> memref<8192x128xf32, #tpu.memory_space<hbm>>
      tpu.enqueue_indirect_dma source(%dma_start3A_35 : memref<8192x128xf32, #tpu.memory_space<hbm>>) target(%arg6 : memref<256x128xf32, #tpu.memory_space<vmem>>) offsets(%dma_start3A : memref<256xi32, #tpu.memory_space<vmem>>) semaphore(%arg8 : memref<!tpu.dma_semaphore, #tpu.memory_space<semaphore_mem>>)
      %gt3A_36 = arith.constant 0 : i32
      %gt3A_37 = arith.cmpi sgt, %add3A_24, %gt3A_36 : i32
      %convert_element_type3A_38 = arith.extui %gt3A_37 : i1 to i32
      %cond3A_39 = arith.constant 0 : i32
      %cond3A_40 = arith.cmpi ne, %convert_element_type3A_38, %cond3A_39 : i32
      scf.if %cond3A_40 {
        %add3A_63 = arith.addi %mul3A_2, %add3A_30 : i32
        %sub3A = arith.constant 512 : i32
        %sub3A_64 = arith.subi %add3A_63, %sub3A : i32
        %dma_wait3A_65 = arith.constant 0 : i32
        %dma_wait3A_66 = tpu.memref_slice %arg4[%sub3A_64, %dma_wait3A_65] : memref<81920x128xf32, #tpu.memory_space<hbm>> -> memref<256x128xf32, #tpu.memory_space<hbm>>
        %dma_wait3A_67 = arith.constant 0 : i32
        %dma_wait3A_68 = tpu.memref_slice %arg4[%sub3A_64, %dma_wait3A_67] : memref<81920x128xf32, #tpu.memory_space<hbm>> -> memref<256x128xf32, #tpu.memory_space<hbm>>
        tpu.wait_dma2 semaphore(%arg11 : memref<!tpu.dma_semaphore, #tpu.memory_space<semaphore_mem>>) src(%arg7 : memref<256x128xf32, #tpu.memory_space<vmem>>) dst(%dma_wait3A_68 : memref<256x128xf32, #tpu.memory_space<hbm>>)
      } else {
      }
      %dma_start3A_41 = tpu.memref_slice %arg5[%add3A_30] : memref<2560xi32, #tpu.memory_space<vmem>> -> memref<256xi32, #tpu.memory_space<vmem>>
      %dma_start3A_42 = arith.constant 0 : i32
      %dma_start3A_43 = arith.constant 0 : i32
      %dma_start3A_44 = tpu.memref_slice %arg2[%dma_start3A_42, %dma_start3A_43] : memref<8192x128xf32, #tpu.memory_space<hbm>> -> memref<8192x128xf32, #tpu.memory_space<hbm>>
      tpu.enqueue_indirect_dma source(%dma_start3A_44 : memref<8192x128xf32, #tpu.memory_space<hbm>>) target(%arg7 : memref<256x128xf32, #tpu.memory_space<vmem>>) offsets(%dma_start3A_41 : memref<256xi32, #tpu.memory_space<vmem>>) semaphore(%arg9 : memref<!tpu.dma_semaphore, #tpu.memory_space<semaphore_mem>>)
      %dma_wait3A_45 = tpu.memref_slice %arg5[%mul3A_28] : memref<2560xi32, #tpu.memory_space<vmem>> -> memref<256xi32, #tpu.memory_space<vmem>>
      %dma_wait3A_46 = arith.constant 0 : i32
      %dma_wait3A_47 = arith.constant 0 : i32
      %dma_wait3A_48 = tpu.memref_slice %arg2[%dma_wait3A_46, %dma_wait3A_47] : memref<8192x128xf32, #tpu.memory_space<hbm>> -> memref<8192x128xf32, #tpu.memory_space<hbm>>
      tpu.wait_indirect_dma semaphore(%arg8 : memref<!tpu.dma_semaphore, #tpu.memory_space<semaphore_mem>>) src(%dma_wait3A_48 : memref<8192x128xf32, #tpu.memory_space<hbm>>) dst(%arg6 : memref<256x128xf32, #tpu.memory_space<vmem>>)
      %add3A_49 = arith.addi %mul3A_2, %mul3A_28 : i32
      %dma_start3A_50 = arith.constant 0 : i32
      %dma_start3A_51 = tpu.memref_slice %arg4[%add3A_49, %dma_start3A_50] : memref<81920x128xf32, #tpu.memory_space<hbm>> -> memref<256x128xf32, #tpu.memory_space<hbm>>
      %dma_start3A_52 = arith.constant 0 : i32
      %dma_start3A_53 = tpu.memref_slice %arg4[%add3A_49, %dma_start3A_52] : memref<81920x128xf32, #tpu.memory_space<hbm>> -> memref<256x128xf32, #tpu.memory_space<hbm>>
      tpu.enqueue_dma source(%arg6 : memref<256x128xf32, #tpu.memory_space<vmem>>) target(%dma_start3A_53 : memref<256x128xf32, #tpu.memory_space<hbm>>) target_semaphore(%arg10 : memref<!tpu.dma_semaphore, #tpu.memory_space<semaphore_mem>>)
      %dma_wait3A_54 = tpu.memref_slice %arg5[%add3A_30] : memref<2560xi32, #tpu.memory_space<vmem>> -> memref<256xi32, #tpu.memory_space<vmem>>
      %dma_wait3A_55 = arith.constant 0 : i32
      %dma_wait3A_56 = arith.constant 0 : i32
      %dma_wait3A_57 = tpu.memref_slice %arg2[%dma_wait3A_55, %dma_wait3A_56] : memref<8192x128xf32, #tpu.memory_space<hbm>> -> memref<8192x128xf32, #tpu.memory_space<hbm>>
      tpu.wait_indirect_dma semaphore(%arg9 : memref<!tpu.dma_semaphore, #tpu.memory_space<semaphore_mem>>) src(%dma_wait3A_57 : memref<8192x128xf32, #tpu.memory_space<hbm>>) dst(%arg7 : memref<256x128xf32, #tpu.memory_space<vmem>>)
      %add3A_58 = arith.addi %mul3A_2, %add3A_30 : i32
      %dma_start3A_59 = arith.constant 0 : i32
      %dma_start3A_60 = tpu.memref_slice %arg4[%add3A_58, %dma_start3A_59] : memref<81920x128xf32, #tpu.memory_space<hbm>> -> memref<256x128xf32, #tpu.memory_space<hbm>>
      %dma_start3A_61 = arith.constant 0 : i32
      %dma_start3A_62 = tpu.memref_slice %arg4[%add3A_58, %dma_start3A_61] : memref<81920x128xf32, #tpu.memory_space<hbm>> -> memref<256x128xf32, #tpu.memory_space<hbm>>
      tpu.enqueue_dma source(%arg7 : memref<256x128xf32, #tpu.memory_space<vmem>>) target(%dma_start3A_62 : memref<256x128xf32, #tpu.memory_space<hbm>>) target_semaphore(%arg11 : memref<!tpu.dma_semaphore, #tpu.memory_space<semaphore_mem>>)
    }
    %scan3A_6 = arith.constant 5 : i32
    %add3A_7 = arith.constant 2048 : i32
    %add3A_8 = arith.addi %mul3A_2, %add3A_7 : i32
    %dma_wait3A = arith.constant 0 : i32
    %dma_wait3A_9 = tpu.memref_slice %arg4[%add3A_8, %dma_wait3A] : memref<81920x128xf32, #tpu.memory_space<hbm>> -> memref<256x128xf32, #tpu.memory_space<hbm>>
    %dma_wait3A_10 = arith.constant 0 : i32
    %dma_wait3A_11 = tpu.memref_slice %arg4[%add3A_8, %dma_wait3A_10] : memref<81920x128xf32, #tpu.memory_space<hbm>> -> memref<256x128xf32, #tpu.memory_space<hbm>>
    tpu.wait_dma2 semaphore(%arg10 : memref<!tpu.dma_semaphore, #tpu.memory_space<semaphore_mem>>) src(%arg6 : memref<256x128xf32, #tpu.memory_space<vmem>>) dst(%dma_wait3A_11 : memref<256x128xf32, #tpu.memory_space<hbm>>)
    %add3A_12 = arith.constant 2048 : i32
    %add3A_13 = arith.addi %mul3A_2, %add3A_12 : i32
    %add3A_14 = arith.constant 256 : i32
    %add3A_15 = arith.addi %add3A_13, %add3A_14 : i32
    %dma_wait3A_16 = arith.constant 0 : i32
    %dma_wait3A_17 = tpu.memref_slice %arg4[%add3A_15, %dma_wait3A_16] : memref<81920x128xf32, #tpu.memory_space<hbm>> -> memref<256x128xf32, #tpu.memory_space<hbm>>
    %dma_wait3A_18 = arith.constant 0 : i32
    %dma_wait3A_19 = tpu.memref_slice %arg4[%add3A_15, %dma_wait3A_18] : memref<81920x128xf32, #tpu.memory_space<hbm>> -> memref<256x128xf32, #tpu.memory_space<hbm>>
    tpu.wait_dma2 semaphore(%arg11 : memref<!tpu.dma_semaphore, #tpu.memory_space<semaphore_mem>>) src(%arg7 : memref<256x128xf32, #tpu.memory_space<vmem>>) dst(%dma_wait3A_19 : memref<256x128xf32, #tpu.memory_space<hbm>>)
    return
  }
}

#map = affine_map<(d0, d1) -> (0, 0)>
#map1 = affine_map<(d0, d1) -> (0)>
module attributes {stable_mosaic.version = 14 : i64} {
  func.func @k(%arg0: i32, %arg1: i32, %arg2: memref<8192x256xf32, #tpu.memory_space<hbm>>, %arg3: memref<81920xi32, #tpu.memory_space<hbm>>, %arg4: memref<81920x256xf32, #tpu.memory_space<hbm>>, %arg5: memref<2560xi32, #tpu.memory_space<vmem>>, %arg6: memref<128x256xf32, #tpu.memory_space<vmem>>, %arg7: memref<128x256xf32, #tpu.memory_space<vmem>>, %arg8: memref<!tpu.dma_semaphore, #tpu.memory_space<semaphore_mem>>, %arg9: memref<!tpu.dma_semaphore, #tpu.memory_space<semaphore_mem>>, %arg10: memref<!tpu.dma_semaphore, #tpu.memory_space<semaphore_mem>>, %arg11: memref<!tpu.dma_semaphore, #tpu.memory_space<semaphore_mem>>) attributes {dimension_semantics = [#tpu.dimension_semantics<core_parallel>, #tpu.dimension_semantics<subcore_parallel>], iteration_bounds = array<i64: 2, 16>, scalar_prefetch = 0 : i64, scratch_operands = 7 : i64, tpu.core_type = #tpu.core_type<sc_vector_subcore>, window_params = [{transform_indices = #map}, {transform_indices = #map1}, {transform_indices = #map}]} {
    %mul3A = arith.constant 2 : i32
    %mul3A_0 = arith.muli %arg1, %mul3A : i32
    %add3A = arith.addi %mul3A_0, %arg0 : i32
    %mul3A_1 = arith.constant 2560 : i32
    %mul3A_2 = arith.muli %add3A, %mul3A_1 : i32
    "tpu.region"() ({
      %run_scoped3A = tpu.sem_alloc : memref<!tpu.dma_semaphore, #tpu.memory_space<semaphore_mem>>
      %dma_start3A = tpu.memref_slice %arg3[%mul3A_2] : memref<81920xi32, #tpu.memory_space<hbm>> -> memref<2560xi32, #tpu.memory_space<hbm>>
      %dma_start3A_20 = tpu.memref_slice %arg3[%mul3A_2] : memref<81920xi32, #tpu.memory_space<hbm>> -> memref<2560xi32, #tpu.memory_space<hbm>>
      tpu.enqueue_dma source(%dma_start3A_20 : memref<2560xi32, #tpu.memory_space<hbm>>) target(%arg5 : memref<2560xi32, #tpu.memory_space<vmem>>) target_semaphore(%run_scoped3A : memref<!tpu.dma_semaphore, #tpu.memory_space<semaphore_mem>>)
      %dma_wait3A_21 = tpu.memref_slice %arg3[%mul3A_2] : memref<81920xi32, #tpu.memory_space<hbm>> -> memref<2560xi32, #tpu.memory_space<hbm>>
      %dma_wait3A_22 = tpu.memref_slice %arg3[%mul3A_2] : memref<81920xi32, #tpu.memory_space<hbm>> -> memref<2560xi32, #tpu.memory_space<hbm>>
      tpu.wait_dma2 semaphore(%run_scoped3A : memref<!tpu.dma_semaphore, #tpu.memory_space<semaphore_mem>>) src(%dma_wait3A_22 : memref<2560xi32, #tpu.memory_space<hbm>>) dst(%arg5 : memref<2560xi32, #tpu.memory_space<vmem>>)
      tpu.yield
    }) : () -> ()
    %scan3A = arith.constant 0 : i32
    %scan3A_3 = arith.constant 10 : i32
    %scan3A_4 = arith.addi %scan3A, %scan3A_3 : i32
    %scan3A_5 = arith.constant 1 : i32
    scf.for %scan3A_20 = %scan3A to %scan3A_4 step %scan3A_5  : i32 {
      %mul3A_21 = arith.constant 1 : i32
      %mul3A_22 = arith.muli %scan3A_20, %mul3A_21 : i32
      %add3A_23 = arith.constant 0 : i32
      %add3A_24 = arith.addi %add3A_23, %mul3A_22 : i32
      %mul3A_25 = arith.constant 2 : i32
      %mul3A_26 = arith.muli %mul3A_25, %add3A_24 : i32
      %mul3A_27 = arith.constant 128 : i32
      %mul3A_28 = arith.muli %mul3A_26, %mul3A_27 : i32
      %add3A_29 = arith.constant 128 : i32
      %add3A_30 = arith.addi %mul3A_28, %add3A_29 : i32
      %gt3A = arith.constant 0 : i32
      %gt3A_31 = arith.cmpi sgt, %add3A_24, %gt3A : i32
      %convert_element_type3A = arith.extui %gt3A_31 : i1 to i32
      %cond3A = arith.constant 0 : i32
      %cond3A_32 = arith.cmpi ne, %convert_element_type3A, %cond3A : i32
      scf.if %cond3A_32 {
        %add3A_63 = arith.addi %mul3A_2, %mul3A_28 : i32
        %sub3A = arith.constant 256 : i32
        %sub3A_64 = arith.subi %add3A_63, %sub3A : i32
        %dma_wait3A_65 = arith.constant 0 : i32
        %dma_wait3A_66 = tpu.memref_slice %arg4[%sub3A_64, %dma_wait3A_65] : memref<81920x256xf32, #tpu.memory_space<hbm>> -> memref<128x256xf32, #tpu.memory_space<hbm>>
        %dma_wait3A_67 = arith.constant 0 : i32
        %dma_wait3A_68 = tpu.memref_slice %arg4[%sub3A_64, %dma_wait3A_67] : memref<81920x256xf32, #tpu.memory_space<hbm>> -> memref<128x256xf32, #tpu.memory_space<hbm>>
        tpu.wait_dma2 semaphore(%arg10 : memref<!tpu.dma_semaphore, #tpu.memory_space<semaphore_mem>>) src(%arg6 : memref<128x256xf32, #tpu.memory_space<vmem>>) dst(%dma_wait3A_68 : memref<128x256xf32, #tpu.memory_space<hbm>>)
      } else {
      }
      %dma_start3A = tpu.memref_slice %arg5[%mul3A_28] : memref<2560xi32, #tpu.memory_space<vmem>> -> memref<128xi32, #tpu.memory_space<vmem>>
      %dma_start3A_33 = arith.constant 0 : i32
      %dma_start3A_34 = arith.constant 0 : i32
      %dma_start3A_35 = tpu.memref_slice %arg2[%dma_start3A_33, %dma_start3A_34] : memref<8192x256xf32, #tpu.memory_space<hbm>> -> memref<8192x256xf32, #tpu.memory_space<hbm>>
      tpu.enqueue_indirect_dma source(%dma_start3A_35 : memref<8192x256xf32, #tpu.memory_space<hbm>>) target(%arg6 : memref<128x256xf32, #tpu.memory_space<vmem>>) offsets(%dma_start3A : memref<128xi32, #tpu.memory_space<vmem>>) semaphore(%arg8 : memref<!tpu.dma_semaphore, #tpu.memory_space<semaphore_mem>>)
      %gt3A_36 = arith.constant 0 : i32
      %gt3A_37 = arith.cmpi sgt, %add3A_24, %gt3A_36 : i32
      %convert_element_type3A_38 = arith.extui %gt3A_37 : i1 to i32
      %cond3A_39 = arith.constant 0 : i32
      %cond3A_40 = arith.cmpi ne, %convert_element_type3A_38, %cond3A_39 : i32
      scf.if %cond3A_40 {
        %add3A_63 = arith.addi %mul3A_2, %add3A_30 : i32
        %sub3A = arith.constant 256 : i32
        %sub3A_64 = arith.subi %add3A_63, %sub3A : i32
        %dma_wait3A_65 = arith.constant 0 : i32
        %dma_wait3A_66 = tpu.memref_slice %arg4[%sub3A_64, %dma_wait3A_65] : memref<81920x256xf32, #tpu.memory_space<hbm>> -> memref<128x256xf32, #tpu.memory_space<hbm>>
        %dma_wait3A_67 = arith.constant 0 : i32
        %dma_wait3A_68 = tpu.memref_slice %arg4[%sub3A_64, %dma_wait3A_67] : memref<81920x256xf32, #tpu.memory_space<hbm>> -> memref<128x256xf32, #tpu.memory_space<hbm>>
        tpu.wait_dma2 semaphore(%arg11 : memref<!tpu.dma_semaphore, #tpu.memory_space<semaphore_mem>>) src(%arg7 : memref<128x256xf32, #tpu.memory_space<vmem>>) dst(%dma_wait3A_68 : memref<128x256xf32, #tpu.memory_space<hbm>>)
      } else {
      }
      %dma_start3A_41 = tpu.memref_slice %arg5[%add3A_30] : memref<2560xi32, #tpu.memory_space<vmem>> -> memref<128xi32, #tpu.memory_space<vmem>>
      %dma_start3A_42 = arith.constant 0 : i32
      %dma_start3A_43 = arith.constant 0 : i32
      %dma_start3A_44 = tpu.memref_slice %arg2[%dma_start3A_42, %dma_start3A_43] : memref<8192x256xf32, #tpu.memory_space<hbm>> -> memref<8192x256xf32, #tpu.memory_space<hbm>>
      tpu.enqueue_indirect_dma source(%dma_start3A_44 : memref<8192x256xf32, #tpu.memory_space<hbm>>) target(%arg7 : memref<128x256xf32, #tpu.memory_space<vmem>>) offsets(%dma_start3A_41 : memref<128xi32, #tpu.memory_space<vmem>>) semaphore(%arg9 : memref<!tpu.dma_semaphore, #tpu.memory_space<semaphore_mem>>)
      %dma_wait3A_45 = tpu.memref_slice %arg5[%mul3A_28] : memref<2560xi32, #tpu.memory_space<vmem>> -> memref<128xi32, #tpu.memory_space<vmem>>
      %dma_wait3A_46 = arith.constant 0 : i32
      %dma_wait3A_47 = arith.constant 0 : i32
      %dma_wait3A_48 = tpu.memref_slice %arg2[%dma_wait3A_46, %dma_wait3A_47] : memref<8192x256xf32, #tpu.memory_space<hbm>> -> memref<8192x256xf32, #tpu.memory_space<hbm>>
      tpu.wait_indirect_dma semaphore(%arg8 : memref<!tpu.dma_semaphore, #tpu.memory_space<semaphore_mem>>) src(%dma_wait3A_48 : memref<8192x256xf32, #tpu.memory_space<hbm>>) dst(%arg6 : memref<128x256xf32, #tpu.memory_space<vmem>>)
      %add3A_49 = arith.addi %mul3A_2, %mul3A_28 : i32
      %dma_start3A_50 = arith.constant 0 : i32
      %dma_start3A_51 = tpu.memref_slice %arg4[%add3A_49, %dma_start3A_50] : memref<81920x256xf32, #tpu.memory_space<hbm>> -> memref<128x256xf32, #tpu.memory_space<hbm>>
      %dma_start3A_52 = arith.constant 0 : i32
      %dma_start3A_53 = tpu.memref_slice %arg4[%add3A_49, %dma_start3A_52] : memref<81920x256xf32, #tpu.memory_space<hbm>> -> memref<128x256xf32, #tpu.memory_space<hbm>>
      tpu.enqueue_dma source(%arg6 : memref<128x256xf32, #tpu.memory_space<vmem>>) target(%dma_start3A_53 : memref<128x256xf32, #tpu.memory_space<hbm>>) target_semaphore(%arg10 : memref<!tpu.dma_semaphore, #tpu.memory_space<semaphore_mem>>)
      %dma_wait3A_54 = tpu.memref_slice %arg5[%add3A_30] : memref<2560xi32, #tpu.memory_space<vmem>> -> memref<128xi32, #tpu.memory_space<vmem>>
      %dma_wait3A_55 = arith.constant 0 : i32
      %dma_wait3A_56 = arith.constant 0 : i32
      %dma_wait3A_57 = tpu.memref_slice %arg2[%dma_wait3A_55, %dma_wait3A_56] : memref<8192x256xf32, #tpu.memory_space<hbm>> -> memref<8192x256xf32, #tpu.memory_space<hbm>>
      tpu.wait_indirect_dma semaphore(%arg9 : memref<!tpu.dma_semaphore, #tpu.memory_space<semaphore_mem>>) src(%dma_wait3A_57 : memref<8192x256xf32, #tpu.memory_space<hbm>>) dst(%arg7 : memref<128x256xf32, #tpu.memory_space<vmem>>)
      %add3A_58 = arith.addi %mul3A_2, %add3A_30 : i32
      %dma_start3A_59 = arith.constant 0 : i32
      %dma_start3A_60 = tpu.memref_slice %arg4[%add3A_58, %dma_start3A_59] : memref<81920x256xf32, #tpu.memory_space<hbm>> -> memref<128x256xf32, #tpu.memory_space<hbm>>
      %dma_start3A_61 = arith.constant 0 : i32
      %dma_start3A_62 = tpu.memref_slice %arg4[%add3A_58, %dma_start3A_61] : memref<81920x256xf32, #tpu.memory_space<hbm>> -> memref<128x256xf32, #tpu.memory_space<hbm>>
      tpu.enqueue_dma source(%arg7 : memref<128x256xf32, #tpu.memory_space<vmem>>) target(%dma_start3A_62 : memref<128x256xf32, #tpu.memory_space<hbm>>) target_semaphore(%arg11 : memref<!tpu.dma_semaphore, #tpu.memory_space<semaphore_mem>>)
    }
    %scan3A_6 = arith.constant 10 : i32
    %add3A_7 = arith.constant 2304 : i32
    %add3A_8 = arith.addi %mul3A_2, %add3A_7 : i32
    %dma_wait3A = arith.constant 0 : i32
    %dma_wait3A_9 = tpu.memref_slice %arg4[%add3A_8, %dma_wait3A] : memref<81920x256xf32, #tpu.memory_space<hbm>> -> memref<128x256xf32, #tpu.memory_space<hbm>>
    %dma_wait3A_10 = arith.constant 0 : i32
    %dma_wait3A_11 = tpu.memref_slice %arg4[%add3A_8, %dma_wait3A_10] : memref<81920x256xf32, #tpu.memory_space<hbm>> -> memref<128x256xf32, #tpu.memory_space<hbm>>
    tpu.wait_dma2 semaphore(%arg10 : memref<!tpu.dma_semaphore, #tpu.memory_space<semaphore_mem>>) src(%arg6 : memref<128x256xf32, #tpu.memory_space<vmem>>) dst(%dma_wait3A_11 : memref<128x256xf32, #tpu.memory_space<hbm>>)
    %add3A_12 = arith.constant 2304 : i32
    %add3A_13 = arith.addi %mul3A_2, %add3A_12 : i32
    %add3A_14 = arith.constant 128 : i32
    %add3A_15 = arith.addi %add3A_13, %add3A_14 : i32
    %dma_wait3A_16 = arith.constant 0 : i32
    %dma_wait3A_17 = tpu.memref_slice %arg4[%add3A_15, %dma_wait3A_16] : memref<81920x256xf32, #tpu.memory_space<hbm>> -> memref<128x256xf32, #tpu.memory_space<hbm>>
    %dma_wait3A_18 = arith.constant 0 : i32
    %dma_wait3A_19 = tpu.memref_slice %arg4[%add3A_15, %dma_wait3A_18] : memref<81920x256xf32, #tpu.memory_space<hbm>> -> memref<128x256xf32, #tpu.memory_space<hbm>>
    tpu.wait_dma2 semaphore(%arg11 : memref<!tpu.dma_semaphore, #tpu.memory_space<semaphore_mem>>) src(%arg7 : memref<128x256xf32, #tpu.memory_space<vmem>>) dst(%dma_wait3A_19 : memref<128x256xf32, #tpu.memory_space<hbm>>)
    return
  }
}

module attributes {stable_mosaic.version = 14 : i64} {
  func.func @_topk_body(%arg0: i32, %arg1: i32, %arg2: memref<1x512x8xf32, #tpu.memory_space<vmem>>, %arg3: memref<1x8x4096xf32, #tpu.memory_space<vmem>>, %arg4: memref<1x512x128xf32, #tpu.memory_space<vmem>>, %arg5: memref<128x256xf32, #tpu.memory_space<vmem>>, %arg6: memref<1x512x16xi32, #tpu.memory_space<vmem>>, %arg7: memref<1x512x128xf32, #tpu.memory_space<vmem>>, %arg8: memref<512x128xf32, #tpu.memory_space<vmem>>) attributes {dimension_semantics = [#tpu.dimension_semantics<arbitrary>, #tpu.dimension_semantics<arbitrary>], iteration_bounds = array<i64: 2, 8>, scalar_prefetch = 0 : i64, scratch_operands = 0 : i64, tpu.core_type = #tpu.core_type<tc>, window_params = [{transform_indices = @transform_0, window_bounds = array<i64: 1, 512, 8>}, {transform_indices = @transform_1, window_bounds = array<i64: 1, 8, 4096>}, {transform_indices = @transform_2, window_bounds = array<i64: 1, 512, 128>}, {pipeline_mode = #tpu.pipeline_mode<synchronous>, transform_indices = @transform_3, window_bounds = array<i64: 128, 256>}, {transform_indices = @transform_4, window_bounds = array<i64: 1, 512, 16>}, {transform_indices = @transform_5, window_bounds = array<i64: 1, 512, 128>}, {transform_indices = @transform_6, window_bounds = array<i64: 512, 128>}]} {
    %get3A = arith.constant 0 : index
    %get3A_0 = arith.constant 0 : index
    %get3A_1 = arith.constant 0 : index
    %get3A_2 = vector.load %arg4[%get3A, %get3A_0, %get3A_1] : memref<1x512x128xf32, #tpu.memory_space<vmem>>, vector<1x512x128xf32>
    %get3A_3 = vector.shape_cast %get3A_2 : vector<1x512x128xf32> to vector<512x128xf32>
    %get3A_4 = arith.constant 0 : index
    %get3A_5 = arith.constant 0 : index
    %get3A_6 = vector.load %arg5[%get3A_4, %get3A_5] : memref<128x256xf32, #tpu.memory_space<vmem>>, vector<128x256xf32>
    %slice3A = vector.extract_strided_slice %get3A_6 {offsets = [0, 0], sizes = [128, 128], strides = [1, 1]} : vector<128x256xf32> to vector<128x128xf32>
    %slice3A_7 = vector.extract_strided_slice %get3A_6 {offsets = [0, 128], sizes = [128, 128], strides = [1, 1]} : vector<128x256xf32> to vector<128x128xf32>
    %sub3A = arith.subf %slice3A, %slice3A_7 : vector<128x128xf32>
    %slice3A_8 = vector.extract_strided_slice %get3A_6 {offsets = [0, 128], sizes = [128, 128], strides = [1, 1]} : vector<128x256xf32> to vector<128x128xf32>
    %dot_general3A = arith.constant dense<0.000000e+00> : vector<512x128xf32>
    %dot_general3A_9 = tpu.matmul %get3A_3, %sub3A, %dot_general3A {dimension_numbers = #tpu.dot_dimension_numbers<[1], [1], [0], [0], [0, 0, 1, 0], [], []>, precision = #tpu.contract_precision<fp32>, transpose_lhs_hint = false} : vector<512x128xf32>, vector<128x128xf32>, vector<512x128xf32> -> vector<512x128xf32>
    %swap3A = arith.constant 0 : index
    %swap3A_10 = arith.constant 0 : index
    %swap3A_11 = arith.constant 0 : index
    %swap3A_12 = vector.load %arg7[%swap3A, %swap3A_10, %swap3A_11] : memref<1x512x128xf32, #tpu.memory_space<vmem>>, vector<1x512x128xf32>
    %swap3A_13 = vector.shape_cast %swap3A_12 : vector<1x512x128xf32> to vector<512x128xf32>
    %swap3A_14 = vector.shape_cast %dot_general3A_9 : vector<512x128xf32> to vector<1x512x128xf32>
    tpu.vector_store %arg7[%swap3A, %swap3A_10, %swap3A_11], %swap3A_14 {strides = array<i32>} : memref<1x512x128xf32, #tpu.memory_space<vmem>>, vector<1x512x128xf32>,
    %dot_general3A_15 = arith.constant dense<0.000000e+00> : vector<512x128xf32>
    %dot_general3A_16 = tpu.matmul %get3A_3, %slice3A_8, %dot_general3A_15 {dimension_numbers = #tpu.dot_dimension_numbers<[1], [1], [0], [0], [0, 0, 1, 0], [], []>, precision = #tpu.contract_precision<fp32>, transpose_lhs_hint = false} : vector<512x128xf32>, vector<128x128xf32>, vector<512x128xf32> -> vector<512x128xf32>
    %swap3A_17 = arith.constant 0 : index
    %swap3A_18 = arith.constant 0 : index
    %swap3A_19 = vector.load %arg8[%swap3A_17, %swap3A_18] : memref<512x128xf32, #tpu.memory_space<vmem>>, vector<512x128xf32>
    tpu.vector_store %arg8[%swap3A_17, %swap3A_18], %dot_general3A_16 {strides = array<i32>} : memref<512x128xf32, #tpu.memory_space<vmem>>, vector<512x128xf32>,
    %get3A_20 = arith.constant 0 : index
    %get3A_21 = arith.constant 0 : index
    %get3A_22 = arith.constant 0 : index
    %get3A_23 = vector.load %arg2[%get3A_20, %get3A_21, %get3A_22] : memref<1x512x8xf32, #tpu.memory_space<vmem>>, vector<1x512x8xf32>
    %get3A_24 = vector.shape_cast %get3A_23 : vector<1x512x8xf32> to vector<512x8xf32>
    %get3A_25 = arith.constant 0 : index
    %get3A_26 = arith.constant 0 : index
    %get3A_27 = arith.constant 0 : index
    %get3A_28 = vector.load %arg3[%get3A_25, %get3A_26, %get3A_27] : memref<1x8x4096xf32, #tpu.memory_space<vmem>>, vector<1x8x4096xf32>
    %get3A_29 = vector.shape_cast %get3A_28 : vector<1x8x4096xf32> to vector<8x4096xf32>
    %dot_general3A_30 = arith.constant dense<0.000000e+00> : vector<512x4096xf32>
    %dot_general3A_31 = tpu.matmul %get3A_24, %get3A_29, %dot_general3A_30 {dimension_numbers = #tpu.dot_dimension_numbers<[1], [0], [0], [1], [0, 0, 1, 1], [], []>, transpose_lhs_hint = false} : vector<512x8xf32>, vector<8x4096xf32>, vector<512x4096xf32> -> vector<512x4096xf32>
    %mul3A = arith.mulf %get3A_24, %get3A_24 : vector<512x8xf32>
    %reduce_sum3A = arith.constant dense<0.000000e+00> : vector<512xf32>
    %reduce_sum3A_32 = vector.multi_reduction <add>, %mul3A, %reduce_sum3A [1] : vector<512x8xf32> to vector<512xf32>
    %broadcast_in_dim3A = vector.shape_cast %reduce_sum3A_32 : vector<512xf32> to vector<512x1xf32>
    %mul3A_33 = arith.mulf %get3A_29, %get3A_29 : vector<8x4096xf32>
    %reduce_sum3A_34 = arith.constant dense<0.000000e+00> : vector<4096xf32>
    %reduce_sum3A_35 = vector.multi_reduction <add>, %mul3A_33, %reduce_sum3A_34 [0] : vector<8x4096xf32> to vector<4096xf32>
    %broadcast_in_dim3A_36 = vector.shape_cast %reduce_sum3A_35 : vector<4096xf32> to vector<1x4096xf32>
    %mul3A_37 = arith.constant -2.000000e+00 : f32
    %mul3A_38 = vector.broadcast %mul3A_37 : f32 to vector<512x4096xf32>
    %mul3A_39 = arith.mulf %mul3A_38, %dot_general3A_31 : vector<512x4096xf32>
    %add3A = vector.broadcast %broadcast_in_dim3A : vector<512x1xf32> to vector<512x4096xf32>
    %add3A_40 = arith.addf %mul3A_39, %add3A : vector<512x4096xf32>
    %add3A_41 = vector.broadcast %broadcast_in_dim3A_36 : vector<1x4096xf32> to vector<512x4096xf32>
    %add3A_42 = arith.addf %add3A_40, %add3A_41 : vector<512x4096xf32>
    %max3A = arith.constant 9.99999996E-13 : f32
    %max3A_43 = vector.broadcast %max3A : f32 to vector<512x4096xf32>
    %max3A_44 = arith.maximumf %add3A_42, %max3A_43 : vector<512x4096xf32>
    %iota3A = tpu.iota {dimensions = array<i32: 1>} : vector<512x4096xi32>
    %mul3A_45 = arith.constant 4096 : i32
    %mul3A_46 = arith.muli %arg0, %mul3A_45 : i32
    %reduce_min3A = arith.constant dense<0x7F800000> : vector<512xf32>
    %reduce_min3A_47 = vector.multi_reduction <minimumf>, %max3A_44, %reduce_min3A [1] : vector<512x4096xf32> to vector<512xf32>
    %broadcast_in_dim3A_48 = vector.shape_cast %reduce_min3A_47 : vector<512xf32> to vector<512x1xf32>
    %eq3A = vector.broadcast %broadcast_in_dim3A_48 : vector<512x1xf32> to vector<512x4096xf32>
    %eq3A_49 = arith.cmpf oeq, %max3A_44, %eq3A : vector<512x4096xf32>
    %jit3A = arith.constant 4096 : i32
    %broadcast_in_dim3A_50 = vector.broadcast %jit3A : i32 to vector<512x4096xi32>
    %select_n3A = arith.select %eq3A_49, %iota3A, %broadcast_in_dim3A_50 : vector<512x4096xi1>, vector<512x4096xi32>
    %reduce_min3A_51 = arith.constant dense<2147483647> : vector<512xi32>
    %reduce_min3A_52 = vector.multi_reduction <minsi>, %select_n3A, %reduce_min3A_51 [1] : vector<512x4096xi32> to vector<512xi32>
    %broadcast_in_dim3A_53 = vector.shape_cast %reduce_min3A_52 : vector<512xi32> to vector<512x1xi32>
    %eq3A_54 = vector.broadcast %broadcast_in_dim3A_53 : vector<512x1xi32> to vector<512x4096xi32>
    %eq3A_55 = arith.cmpi eq, %iota3A, %eq3A_54 : vector<512x4096xi32>
    %jit3A_56 = arith.constant 3.000000e+38 : f32
    %broadcast_in_dim3A_57 = vector.broadcast %jit3A_56 : f32 to vector<512x4096xf32>
    %select_n3A_58 = arith.select %eq3A_55, %broadcast_in_dim3A_57, %max3A_44 : vector<512x4096xi1>, vector<512x4096xf32>
    %reduce_min3A_59 = arith.constant dense<0x7F800000> : vector<512xf32>
    %reduce_min3A_60 = vector.multi_reduction <minimumf>, %select_n3A_58, %reduce_min3A_59 [1] : vector<512x4096xf32> to vector<512xf32>
    %broadcast_in_dim3A_61 = vector.shape_cast %reduce_min3A_60 : vector<512xf32> to vector<512x1xf32>
    %eq3A_62 = vector.broadcast %broadcast_in_dim3A_61 : vector<512x1xf32> to vector<512x4096xf32>
    %eq3A_63 = arith.cmpf oeq, %select_n3A_58, %eq3A_62 : vector<512x4096xf32>
    %jit3A_64 = arith.constant 4096 : i32
    %broadcast_in_dim3A_65 = vector.broadcast %jit3A_64 : i32 to vector<512x4096xi32>
    %select_n3A_66 = arith.select %eq3A_63, %iota3A, %broadcast_in_dim3A_65 : vector<512x4096xi1>, vector<512x4096xi32>
    %reduce_min3A_67 = arith.constant dense<2147483647> : vector<512xi32>
    %reduce_min3A_68 = vector.multi_reduction <minsi>, %select_n3A_66, %reduce_min3A_67 [1] : vector<512x4096xi32> to vector<512xi32>
    %broadcast_in_dim3A_69 = vector.shape_cast %reduce_min3A_68 : vector<512xi32> to vector<512x1xi32>
    %add3A_70 = vector.broadcast %mul3A_46 : i32 to vector<512x1xi32>
    %add3A_71 = arith.addi %broadcast_in_dim3A_69, %add3A_70 : vector<512x1xi32>
    %swap3A_72 = arith.constant 0 : index
    %swap3A_73 = arith.constant 0 : index
    %swap3A_74 = arith.constant 0 : index
    %swap3A_75 = vector.load %arg6[%swap3A_72, %swap3A_73, %swap3A_74] : memref<1x512x16xi32, #tpu.memory_space<vmem>>, vector<1x512x1xi32>
    %swap3A_76 = vector.shape_cast %swap3A_75 : vector<1x512x1xi32> to vector<512x1xi32>
    %swap3A_77 = vector.shape_cast %add3A_71 : vector<512x1xi32> to vector<1x512x1xi32>
    tpu.vector_store %arg6[%swap3A_72, %swap3A_73, %swap3A_74], %swap3A_77 {strides = array<i32>} : memref<1x512x16xi32, #tpu.memory_space<vmem>>, vector<1x512x1xi32>,
    %eq3A_78 = vector.broadcast %broadcast_in_dim3A_69 : vector<512x1xi32> to vector<512x4096xi32>
    %eq3A_79 = arith.cmpi eq, %iota3A, %eq3A_78 : vector<512x4096xi32>
    %jit3A_80 = arith.constant 3.000000e+38 : f32
    %broadcast_in_dim3A_81 = vector.broadcast %jit3A_80 : f32 to vector<512x4096xf32>
    %select_n3A_82 = arith.select %eq3A_79, %broadcast_in_dim3A_81, %select_n3A_58 : vector<512x4096xi1>, vector<512x4096xf32>
    %reduce_min3A_83 = arith.constant dense<0x7F800000> : vector<512xf32>
    %reduce_min3A_84 = vector.multi_reduction <minimumf>, %select_n3A_82, %reduce_min3A_83 [1] : vector<512x4096xf32> to vector<512xf32>
    %broadcast_in_dim3A_85 = vector.shape_cast %reduce_min3A_84 : vector<512xf32> to vector<512x1xf32>
    %eq3A_86 = vector.broadcast %broadcast_in_dim3A_85 : vector<512x1xf32> to vector<512x4096xf32>
    %eq3A_87 = arith.cmpf oeq, %select_n3A_82, %eq3A_86 : vector<512x4096xf32>
    %jit3A_88 = arith.constant 4096 : i32
    %broadcast_in_dim3A_89 = vector.broadcast %jit3A_88 : i32 to vector<512x4096xi32>
    %select_n3A_90 = arith.select %eq3A_87, %iota3A, %broadcast_in_dim3A_89 : vector<512x4096xi1>, vector<512x4096xi32>
    %reduce_min3A_91 = arith.constant dense<2147483647> : vector<512xi32>
    %reduce_min3A_92 = vector.multi_reduction <minsi>, %select_n3A_90, %reduce_min3A_91 [1] : vector<512x4096xi32> to vector<512xi32>
    %broadcast_in_dim3A_93 = vector.shape_cast %reduce_min3A_92 : vector<512xi32> to vector<512x1xi32>
    %add3A_94 = vector.broadcast %mul3A_46 : i32 to vector<512x1xi32>
    %add3A_95 = arith.addi %broadcast_in_dim3A_93, %add3A_94 : vector<512x1xi32>
    %swap3A_96 = arith.constant 0 : index
    %swap3A_97 = arith.constant 0 : index
    %swap3A_98 = arith.constant 1 : index
    %swap3A_99 = vector.load %arg6[%swap3A_96, %swap3A_97, %swap3A_98] : memref<1x512x16xi32, #tpu.memory_space<vmem>>, vector<1x512x1xi32>
    %swap3A_100 = vector.shape_cast %swap3A_99 : vector<1x512x1xi32> to vector<512x1xi32>
    %swap3A_101 = vector.shape_cast %add3A_95 : vector<512x1xi32> to vector<1x512x1xi32>
    tpu.vector_store %arg6[%swap3A_96, %swap3A_97, %swap3A_98], %swap3A_101 {strides = array<i32>} : memref<1x512x16xi32, #tpu.memory_space<vmem>>, vector<1x512x1xi32>,
    %eq3A_102 = vector.broadcast %broadcast_in_dim3A_93 : vector<512x1xi32> to vector<512x4096xi32>
    %eq3A_103 = arith.cmpi eq, %iota3A, %eq3A_102 : vector<512x4096xi32>
    %jit3A_104 = arith.constant 3.000000e+38 : f32
    %broadcast_in_dim3A_105 = vector.broadcast %jit3A_104 : f32 to vector<512x4096xf32>
    %select_n3A_106 = arith.select %eq3A_103, %broadcast_in_dim3A_105, %select_n3A_82 : vector<512x4096xi1>, vector<512x4096xf32>
    %reduce_min3A_107 = arith.constant dense<0x7F800000> : vector<512xf32>
    %reduce_min3A_108 = vector.multi_reduction <minimumf>, %select_n3A_106, %reduce_min3A_107 [1] : vector<512x4096xf32> to vector<512xf32>
    %broadcast_in_dim3A_109 = vector.shape_cast %reduce_min3A_108 : vector<512xf32> to vector<512x1xf32>
    %eq3A_110 = vector.broadcast %broadcast_in_dim3A_109 : vector<512x1xf32> to vector<512x4096xf32>
    %eq3A_111 = arith.cmpf oeq, %select_n3A_106, %eq3A_110 : vector<512x4096xf32>
    %jit3A_112 = arith.constant 4096 : i32
    %broadcast_in_dim3A_113 = vector.broadcast %jit3A_112 : i32 to vector<512x4096xi32>
    %select_n3A_114 = arith.select %eq3A_111, %iota3A, %broadcast_in_dim3A_113 : vector<512x4096xi1>, vector<512x4096xi32>
    %reduce_min3A_115 = arith.constant dense<2147483647> : vector<512xi32>
    %reduce_min3A_116 = vector.multi_reduction <minsi>, %select_n3A_114, %reduce_min3A_115 [1] : vector<512x4096xi32> to vector<512xi32>
    %broadcast_in_dim3A_117 = vector.shape_cast %reduce_min3A_116 : vector<512xi32> to vector<512x1xi32>
    %add3A_118 = vector.broadcast %mul3A_46 : i32 to vector<512x1xi32>
    %add3A_119 = arith.addi %broadcast_in_dim3A_117, %add3A_118 : vector<512x1xi32>
    %swap3A_120 = arith.constant 0 : index
    %swap3A_121 = arith.constant 0 : index
    %swap3A_122 = arith.constant 2 : index
    %swap3A_123 = vector.load %arg6[%swap3A_120, %swap3A_121, %swap3A_122] : memref<1x512x16xi32, #tpu.memory_space<vmem>>, vector<1x512x1xi32>
    %swap3A_124 = vector.shape_cast %swap3A_123 : vector<1x512x1xi32> to vector<512x1xi32>
    %swap3A_125 = vector.shape_cast %add3A_119 : vector<512x1xi32> to vector<1x512x1xi32>
    tpu.vector_store %arg6[%swap3A_120, %swap3A_121, %swap3A_122], %swap3A_125 {strides = array<i32>} : memref<1x512x16xi32, #tpu.memory_space<vmem>>, vector<1x512x1xi32>,
    %eq3A_126 = vector.broadcast %broadcast_in_dim3A_117 : vector<512x1xi32> to vector<512x4096xi32>
    %eq3A_127 = arith.cmpi eq, %iota3A, %eq3A_126 : vector<512x4096xi32>
    %jit3A_128 = arith.constant 3.000000e+38 : f32
    %broadcast_in_dim3A_129 = vector.broadcast %jit3A_128 : f32 to vector<512x4096xf32>
    %select_n3A_130 = arith.select %eq3A_127, %broadcast_in_dim3A_129, %select_n3A_106 : vector<512x4096xi1>, vector<512x4096xf32>
    %reduce_min3A_131 = arith.constant dense<0x7F800000> : vector<512xf32>
    %reduce_min3A_132 = vector.multi_reduction <minimumf>, %select_n3A_130, %reduce_min3A_131 [1] : vector<512x4096xf32> to vector<512xf32>
    %broadcast_in_dim3A_133 = vector.shape_cast %reduce_min3A_132 : vector<512xf32> to vector<512x1xf32>
    %eq3A_134 = vector.broadcast %broadcast_in_dim3A_133 : vector<512x1xf32> to vector<512x4096xf32>
    %eq3A_135 = arith.cmpf oeq, %select_n3A_130, %eq3A_134 : vector<512x4096xf32>
    %jit3A_136 = arith.constant 4096 : i32
    %broadcast_in_dim3A_137 = vector.broadcast %jit3A_136 : i32 to vector<512x4096xi32>
    %select_n3A_138 = arith.select %eq3A_135, %iota3A, %broadcast_in_dim3A_137 : vector<512x4096xi1>, vector<512x4096xi32>
    %reduce_min3A_139 = arith.constant dense<2147483647> : vector<512xi32>
    %reduce_min3A_140 = vector.multi_reduction <minsi>, %select_n3A_138, %reduce_min3A_139 [1] : vector<512x4096xi32> to vector<512xi32>
    %broadcast_in_dim3A_141 = vector.shape_cast %reduce_min3A_140 : vector<512xi32> to vector<512x1xi32>
    %add3A_142 = vector.broadcast %mul3A_46 : i32 to vector<512x1xi32>
    %add3A_143 = arith.addi %broadcast_in_dim3A_141, %add3A_142 : vector<512x1xi32>
    %swap3A_144 = arith.constant 0 : index
    %swap3A_145 = arith.constant 0 : index
    %swap3A_146 = arith.constant 3 : index
    %swap3A_147 = vector.load %arg6[%swap3A_144, %swap3A_145, %swap3A_146] : memref<1x512x16xi32, #tpu.memory_space<vmem>>, vector<1x512x1xi32>
    %swap3A_148 = vector.shape_cast %swap3A_147 : vector<1x512x1xi32> to vector<512x1xi32>
    %swap3A_149 = vector.shape_cast %add3A_143 : vector<512x1xi32> to vector<1x512x1xi32>
    tpu.vector_store %arg6[%swap3A_144, %swap3A_145, %swap3A_146], %swap3A_149 {strides = array<i32>} : memref<1x512x16xi32, #tpu.memory_space<vmem>>, vector<1x512x1xi32>,
    %eq3A_150 = vector.broadcast %broadcast_in_dim3A_141 : vector<512x1xi32> to vector<512x4096xi32>
    %eq3A_151 = arith.cmpi eq, %iota3A, %eq3A_150 : vector<512x4096xi32>
    %jit3A_152 = arith.constant 3.000000e+38 : f32
    %broadcast_in_dim3A_153 = vector.broadcast %jit3A_152 : f32 to vector<512x4096xf32>
    %select_n3A_154 = arith.select %eq3A_151, %broadcast_in_dim3A_153, %select_n3A_130 : vector<512x4096xi1>, vector<512x4096xf32>
    %reduce_min3A_155 = arith.constant dense<0x7F800000> : vector<512xf32>
    %reduce_min3A_156 = vector.multi_reduction <minimumf>, %select_n3A_154, %reduce_min3A_155 [1] : vector<512x4096xf32> to vector<512xf32>
    %broadcast_in_dim3A_157 = vector.shape_cast %reduce_min3A_156 : vector<512xf32> to vector<512x1xf32>
    %eq3A_158 = vector.broadcast %broadcast_in_dim3A_157 : vector<512x1xf32> to vector<512x4096xf32>
    %eq3A_159 = arith.cmpf oeq, %select_n3A_154, %eq3A_158 : vector<512x4096xf32>
    %jit3A_160 = arith.constant 4096 : i32
    %broadcast_in_dim3A_161 = vector.broadcast %jit3A_160 : i32 to vector<512x4096xi32>
    %select_n3A_162 = arith.select %eq3A_159, %iota3A, %broadcast_in_dim3A_161 : vector<512x4096xi1>, vector<512x4096xi32>
    %reduce_min3A_163 = arith.constant dense<2147483647> : vector<512xi32>
    %reduce_min3A_164 = vector.multi_reduction <minsi>, %select_n3A_162, %reduce_min3A_163 [1] : vector<512x4096xi32> to vector<512xi32>
    %broadcast_in_dim3A_165 = vector.shape_cast %reduce_min3A_164 : vector<512xi32> to vector<512x1xi32>
    %add3A_166 = vector.broadcast %mul3A_46 : i32 to vector<512x1xi32>
    %add3A_167 = arith.addi %broadcast_in_dim3A_165, %add3A_166 : vector<512x1xi32>
    %swap3A_168 = arith.constant 0 : index
    %swap3A_169 = arith.constant 0 : index
    %swap3A_170 = arith.constant 4 : index
    %swap3A_171 = vector.load %arg6[%swap3A_168, %swap3A_169, %swap3A_170] : memref<1x512x16xi32, #tpu.memory_space<vmem>>, vector<1x512x1xi32>
    %swap3A_172 = vector.shape_cast %swap3A_171 : vector<1x512x1xi32> to vector<512x1xi32>
    %swap3A_173 = vector.shape_cast %add3A_167 : vector<512x1xi32> to vector<1x512x1xi32>
    tpu.vector_store %arg6[%swap3A_168, %swap3A_169, %swap3A_170], %swap3A_173 {strides = array<i32>} : memref<1x512x16xi32, #tpu.memory_space<vmem>>, vector<1x512x1xi32>,
    %eq3A_174 = vector.broadcast %broadcast_in_dim3A_165 : vector<512x1xi32> to vector<512x4096xi32>
    %eq3A_175 = arith.cmpi eq, %iota3A, %eq3A_174 : vector<512x4096xi32>
    %jit3A_176 = arith.constant 3.000000e+38 : f32
    %broadcast_in_dim3A_177 = vector.broadcast %jit3A_176 : f32 to vector<512x4096xf32>
    %select_n3A_178 = arith.select %eq3A_175, %broadcast_in_dim3A_177, %select_n3A_154 : vector<512x4096xi1>, vector<512x4096xf32>
    %reduce_min3A_179 = arith.constant dense<0x7F800000> : vector<512xf32>
    %reduce_min3A_180 = vector.multi_reduction <minimumf>, %select_n3A_178, %reduce_min3A_179 [1] : vector<512x4096xf32> to vector<512xf32>
    %broadcast_in_dim3A_181 = vector.shape_cast %reduce_min3A_180 : vector<512xf32> to vector<512x1xf32>
    %eq3A_182 = vector.broadcast %broadcast_in_dim3A_181 : vector<512x1xf32> to vector<512x4096xf32>
    %eq3A_183 = arith.cmpf oeq, %select_n3A_178, %eq3A_182 : vector<512x4096xf32>
    %jit3A_184 = arith.constant 4096 : i32
    %broadcast_in_dim3A_185 = vector.broadcast %jit3A_184 : i32 to vector<512x4096xi32>
    %select_n3A_186 = arith.select %eq3A_183, %iota3A, %broadcast_in_dim3A_185 : vector<512x4096xi1>, vector<512x4096xi32>
    %reduce_min3A_187 = arith.constant dense<2147483647> : vector<512xi32>
    %reduce_min3A_188 = vector.multi_reduction <minsi>, %select_n3A_186, %reduce_min3A_187 [1] : vector<512x4096xi32> to vector<512xi32>
    %broadcast_in_dim3A_189 = vector.shape_cast %reduce_min3A_188 : vector<512xi32> to vector<512x1xi32>
    %add3A_190 = vector.broadcast %mul3A_46 : i32 to vector<512x1xi32>
    %add3A_191 = arith.addi %broadcast_in_dim3A_189, %add3A_190 : vector<512x1xi32>
    %swap3A_192 = arith.constant 0 : index
    %swap3A_193 = arith.constant 0 : index
    %swap3A_194 = arith.constant 5 : index
    %swap3A_195 = vector.load %arg6[%swap3A_192, %swap3A_193, %swap3A_194] : memref<1x512x16xi32, #tpu.memory_space<vmem>>, vector<1x512x1xi32>
    %swap3A_196 = vector.shape_cast %swap3A_195 : vector<1x512x1xi32> to vector<512x1xi32>
    %swap3A_197 = vector.shape_cast %add3A_191 : vector<512x1xi32> to vector<1x512x1xi32>
    tpu.vector_store %arg6[%swap3A_192, %swap3A_193, %swap3A_194], %swap3A_197 {strides = array<i32>} : memref<1x512x16xi32, #tpu.memory_space<vmem>>, vector<1x512x1xi32>,
    %eq3A_198 = vector.broadcast %broadcast_in_dim3A_189 : vector<512x1xi32> to vector<512x4096xi32>
    %eq3A_199 = arith.cmpi eq, %iota3A, %eq3A_198 : vector<512x4096xi32>
    %jit3A_200 = arith.constant 3.000000e+38 : f32
    %broadcast_in_dim3A_201 = vector.broadcast %jit3A_200 : f32 to vector<512x4096xf32>
    %select_n3A_202 = arith.select %eq3A_199, %broadcast_in_dim3A_201, %select_n3A_178 : vector<512x4096xi1>, vector<512x4096xf32>
    %reduce_min3A_203 = arith.constant dense<0x7F800000> : vector<512xf32>
    %reduce_min3A_204 = vector.multi_reduction <minimumf>, %select_n3A_202, %reduce_min3A_203 [1] : vector<512x4096xf32> to vector<512xf32>
    %broadcast_in_dim3A_205 = vector.shape_cast %reduce_min3A_204 : vector<512xf32> to vector<512x1xf32>
    %eq3A_206 = vector.broadcast %broadcast_in_dim3A_205 : vector<512x1xf32> to vector<512x4096xf32>
    %eq3A_207 = arith.cmpf oeq, %select_n3A_202, %eq3A_206 : vector<512x4096xf32>
    %jit3A_208 = arith.constant 4096 : i32
    %broadcast_in_dim3A_209 = vector.broadcast %jit3A_208 : i32 to vector<512x4096xi32>
    %select_n3A_210 = arith.select %eq3A_207, %iota3A, %broadcast_in_dim3A_209 : vector<512x4096xi1>, vector<512x4096xi32>
    %reduce_min3A_211 = arith.constant dense<2147483647> : vector<512xi32>
    %reduce_min3A_212 = vector.multi_reduction <minsi>, %select_n3A_210, %reduce_min3A_211 [1] : vector<512x4096xi32> to vector<512xi32>
    %broadcast_in_dim3A_213 = vector.shape_cast %reduce_min3A_212 : vector<512xi32> to vector<512x1xi32>
    %add3A_214 = vector.broadcast %mul3A_46 : i32 to vector<512x1xi32>
    %add3A_215 = arith.addi %broadcast_in_dim3A_213, %add3A_214 : vector<512x1xi32>
    %swap3A_216 = arith.constant 0 : index
    %swap3A_217 = arith.constant 0 : index
    %swap3A_218 = arith.constant 6 : index
    %swap3A_219 = vector.load %arg6[%swap3A_216, %swap3A_217, %swap3A_218] : memref<1x512x16xi32, #tpu.memory_space<vmem>>, vector<1x512x1xi32>
    %swap3A_220 = vector.shape_cast %swap3A_219 : vector<1x512x1xi32> to vector<512x1xi32>
    %swap3A_221 = vector.shape_cast %add3A_215 : vector<512x1xi32> to vector<1x512x1xi32>
    tpu.vector_store %arg6[%swap3A_216, %swap3A_217, %swap3A_218], %swap3A_221 {strides = array<i32>} : memref<1x512x16xi32, #tpu.memory_space<vmem>>, vector<1x512x1xi32>,
    %eq3A_222 = vector.broadcast %broadcast_in_dim3A_213 : vector<512x1xi32> to vector<512x4096xi32>
    %eq3A_223 = arith.cmpi eq, %iota3A, %eq3A_222 : vector<512x4096xi32>
    %jit3A_224 = arith.constant 3.000000e+38 : f32
    %broadcast_in_dim3A_225 = vector.broadcast %jit3A_224 : f32 to vector<512x4096xf32>
    %select_n3A_226 = arith.select %eq3A_223, %broadcast_in_dim3A_225, %select_n3A_202 : vector<512x4096xi1>, vector<512x4096xf32>
    %reduce_min3A_227 = arith.constant dense<0x7F800000> : vector<512xf32>
    %reduce_min3A_228 = vector.multi_reduction <minimumf>, %select_n3A_226, %reduce_min3A_227 [1] : vector<512x4096xf32> to vector<512xf32>
    %broadcast_in_dim3A_229 = vector.shape_cast %reduce_min3A_228 : vector<512xf32> to vector<512x1xf32>
    %eq3A_230 = vector.broadcast %broadcast_in_dim3A_229 : vector<512x1xf32> to vector<512x4096xf32>
    %eq3A_231 = arith.cmpf oeq, %select_n3A_226, %eq3A_230 : vector<512x4096xf32>
    %jit3A_232 = arith.constant 4096 : i32
    %broadcast_in_dim3A_233 = vector.broadcast %jit3A_232 : i32 to vector<512x4096xi32>
    %select_n3A_234 = arith.select %eq3A_231, %iota3A, %broadcast_in_dim3A_233 : vector<512x4096xi1>, vector<512x4096xi32>
    %reduce_min3A_235 = arith.constant dense<2147483647> : vector<512xi32>
    %reduce_min3A_236 = vector.multi_reduction <minsi>, %select_n3A_234, %reduce_min3A_235 [1] : vector<512x4096xi32> to vector<512xi32>
    %broadcast_in_dim3A_237 = vector.shape_cast %reduce_min3A_236 : vector<512xi32> to vector<512x1xi32>
    %add3A_238 = vector.broadcast %mul3A_46 : i32 to vector<512x1xi32>
    %add3A_239 = arith.addi %broadcast_in_dim3A_237, %add3A_238 : vector<512x1xi32>
    %swap3A_240 = arith.constant 0 : index
    %swap3A_241 = arith.constant 0 : index
    %swap3A_242 = arith.constant 7 : index
    %swap3A_243 = vector.load %arg6[%swap3A_240, %swap3A_241, %swap3A_242] : memref<1x512x16xi32, #tpu.memory_space<vmem>>, vector<1x512x1xi32>
    %swap3A_244 = vector.shape_cast %swap3A_243 : vector<1x512x1xi32> to vector<512x1xi32>
    %swap3A_245 = vector.shape_cast %add3A_239 : vector<512x1xi32> to vector<1x512x1xi32>
    tpu.vector_store %arg6[%swap3A_240, %swap3A_241, %swap3A_242], %swap3A_245 {strides = array<i32>} : memref<1x512x16xi32, #tpu.memory_space<vmem>>, vector<1x512x1xi32>,
    %eq3A_246 = vector.broadcast %broadcast_in_dim3A_237 : vector<512x1xi32> to vector<512x4096xi32>
    %eq3A_247 = arith.cmpi eq, %iota3A, %eq3A_246 : vector<512x4096xi32>
    %jit3A_248 = arith.constant 3.000000e+38 : f32
    %broadcast_in_dim3A_249 = vector.broadcast %jit3A_248 : f32 to vector<512x4096xf32>
    %select_n3A_250 = arith.select %eq3A_247, %broadcast_in_dim3A_249, %select_n3A_226 : vector<512x4096xi1>, vector<512x4096xf32>
    %reduce_min3A_251 = arith.constant dense<0x7F800000> : vector<512xf32>
    %reduce_min3A_252 = vector.multi_reduction <minimumf>, %select_n3A_250, %reduce_min3A_251 [1] : vector<512x4096xf32> to vector<512xf32>
    %broadcast_in_dim3A_253 = vector.shape_cast %reduce_min3A_252 : vector<512xf32> to vector<512x1xf32>
    %eq3A_254 = vector.broadcast %broadcast_in_dim3A_253 : vector<512x1xf32> to vector<512x4096xf32>
    %eq3A_255 = arith.cmpf oeq, %select_n3A_250, %eq3A_254 : vector<512x4096xf32>
    %jit3A_256 = arith.constant 4096 : i32
    %broadcast_in_dim3A_257 = vector.broadcast %jit3A_256 : i32 to vector<512x4096xi32>
    %select_n3A_258 = arith.select %eq3A_255, %iota3A, %broadcast_in_dim3A_257 : vector<512x4096xi1>, vector<512x4096xi32>
    %reduce_min3A_259 = arith.constant dense<2147483647> : vector<512xi32>
    %reduce_min3A_260 = vector.multi_reduction <minsi>, %select_n3A_258, %reduce_min3A_259 [1] : vector<512x4096xi32> to vector<512xi32>
    %broadcast_in_dim3A_261 = vector.shape_cast %reduce_min3A_260 : vector<512xi32> to vector<512x1xi32>
    %add3A_262 = vector.broadcast %mul3A_46 : i32 to vector<512x1xi32>
    %add3A_263 = arith.addi %broadcast_in_dim3A_261, %add3A_262 : vector<512x1xi32>
    %swap3A_264 = arith.constant 0 : index
    %swap3A_265 = arith.constant 0 : index
    %swap3A_266 = arith.constant 8 : index
    %swap3A_267 = vector.load %arg6[%swap3A_264, %swap3A_265, %swap3A_266] : memref<1x512x16xi32, #tpu.memory_space<vmem>>, vector<1x512x1xi32>
    %swap3A_268 = vector.shape_cast %swap3A_267 : vector<1x512x1xi32> to vector<512x1xi32>
    %swap3A_269 = vector.shape_cast %add3A_263 : vector<512x1xi32> to vector<1x512x1xi32>
    tpu.vector_store %arg6[%swap3A_264, %swap3A_265, %swap3A_266], %swap3A_269 {strides = array<i32>} : memref<1x512x16xi32, #tpu.memory_space<vmem>>, vector<1x512x1xi32>,
    %eq3A_270 = vector.broadcast %broadcast_in_dim3A_261 : vector<512x1xi32> to vector<512x4096xi32>
    %eq3A_271 = arith.cmpi eq, %iota3A, %eq3A_270 : vector<512x4096xi32>
    %jit3A_272 = arith.constant 3.000000e+38 : f32
    %broadcast_in_dim3A_273 = vector.broadcast %jit3A_272 : f32 to vector<512x4096xf32>
    %select_n3A_274 = arith.select %eq3A_271, %broadcast_in_dim3A_273, %select_n3A_250 : vector<512x4096xi1>, vector<512x4096xf32>
    %reduce_min3A_275 = arith.constant dense<0x7F800000> : vector<512xf32>
    %reduce_min3A_276 = vector.multi_reduction <minimumf>, %select_n3A_274, %reduce_min3A_275 [1] : vector<512x4096xf32> to vector<512xf32>
    %broadcast_in_dim3A_277 = vector.shape_cast %reduce_min3A_276 : vector<512xf32> to vector<512x1xf32>
    %eq3A_278 = vector.broadcast %broadcast_in_dim3A_277 : vector<512x1xf32> to vector<512x4096xf32>
    %eq3A_279 = arith.cmpf oeq, %select_n3A_274, %eq3A_278 : vector<512x4096xf32>
    %jit3A_280 = arith.constant 4096 : i32
    %broadcast_in_dim3A_281 = vector.broadcast %jit3A_280 : i32 to vector<512x4096xi32>
    %select_n3A_282 = arith.select %eq3A_279, %iota3A, %broadcast_in_dim3A_281 : vector<512x4096xi1>, vector<512x4096xi32>
    %reduce_min3A_283 = arith.constant dense<2147483647> : vector<512xi32>
    %reduce_min3A_284 = vector.multi_reduction <minsi>, %select_n3A_282, %reduce_min3A_283 [1] : vector<512x4096xi32> to vector<512xi32>
    %broadcast_in_dim3A_285 = vector.shape_cast %reduce_min3A_284 : vector<512xi32> to vector<512x1xi32>
    %add3A_286 = vector.broadcast %mul3A_46 : i32 to vector<512x1xi32>
    %add3A_287 = arith.addi %broadcast_in_dim3A_285, %add3A_286 : vector<512x1xi32>
    %swap3A_288 = arith.constant 0 : index
    %swap3A_289 = arith.constant 0 : index
    %swap3A_290 = arith.constant 9 : index
    %swap3A_291 = vector.load %arg6[%swap3A_288, %swap3A_289, %swap3A_290] : memref<1x512x16xi32, #tpu.memory_space<vmem>>, vector<1x512x1xi32>
    %swap3A_292 = vector.shape_cast %swap3A_291 : vector<1x512x1xi32> to vector<512x1xi32>
    %swap3A_293 = vector.shape_cast %add3A_287 : vector<512x1xi32> to vector<1x512x1xi32>
    tpu.vector_store %arg6[%swap3A_288, %swap3A_289, %swap3A_290], %swap3A_293 {strides = array<i32>} : memref<1x512x16xi32, #tpu.memory_space<vmem>>, vector<1x512x1xi32>,
    return
  }
  func.func @transform_0(%arg0: i32, %arg1: i32) -> (i32, i32, i32) {
    %c0_i32 = arith.constant 0 : i32
    %c0_i32_0 = arith.constant 0 : i32
    return %arg0, %arg1, %c0_i32 : i32, i32, i32
  }
  func.func @transform_1(%arg0: i32, %arg1: i32) -> (i32, i32, i32) {
    %c0_i32 = arith.constant 0 : i32
    %c0_i32_0 = arith.constant 0 : i32
    %c0_i32_1 = arith.constant 0 : i32
    return %arg0, %c0_i32, %c0_i32_0 : i32, i32, i32
  }
  func.func @transform_2(%arg0: i32, %arg1: i32) -> (i32, i32, i32) {
    %c0_i32 = arith.constant 0 : i32
    %c0_i32_0 = arith.constant 0 : i32
    return %arg0, %arg1, %c0_i32 : i32, i32, i32
  }
  func.func @transform_3(%arg0: i32, %arg1: i32) -> (i32, i32) {
    %c0_i32 = arith.constant 0 : i32
    %c0_i32_0 = arith.constant 0 : i32
    %c0_i32_1 = arith.constant 0 : i32
    return %c0_i32, %c0_i32_0 : i32, i32
  }
  func.func @transform_4(%arg0: i32, %arg1: i32) -> (i32, i32, i32) {
    %c0_i32 = arith.constant 0 : i32
    %c0_i32_0 = arith.constant 0 : i32
    return %arg0, %arg1, %c0_i32 : i32, i32, i32
  }
  func.func @transform_5(%arg0: i32, %arg1: i32) -> (i32, i32, i32) {
    %c0_i32 = arith.constant 0 : i32
    %c0_i32_0 = arith.constant 0 : i32
    return %arg0, %arg1, %c0_i32 : i32, i32, i32
  }
  func.func @transform_6(%arg0: i32, %arg1: i32) -> (i32, i32) {
    %mul3A = arith.constant 8 : i32
    %mul3A_0 = arith.muli %arg0, %mul3A : i32
    %add3A = arith.addi %mul3A_0, %arg1 : i32
    %c0_i32 = arith.constant 0 : i32
    %c0_i32_1 = arith.constant 0 : i32
    return %add3A, %c0_i32 : i32, i32
  }
}

module attributes {stable_mosaic.version = 14 : i64} {
  func.func @_l1_body(%arg0: i32, %arg1: i32, %arg2: memref<10x512x128xf32, #tpu.memory_space<vmem>>, %arg3: memref<1x512x128xf32, #tpu.memory_space<vmem>>, %arg4: memref<256x256xf32, #tpu.memory_space<vmem>>, %arg5: memref<1x512x128xf32, #tpu.memory_space<vmem>>, %arg6: memref<1x512x256xf32, #tpu.memory_space<vmem>>, %arg7: memref<512x256xf32, #tpu.memory_space<vmem>>, %arg8: memref<4096x128xf32, #tpu.memory_space<vmem>>, %arg9: memref<8x128xf32, #tpu.memory_space<vmem>>) attributes {dimension_semantics = [#tpu.dimension_semantics<arbitrary>, #tpu.dimension_semantics<arbitrary>], iteration_bounds = array<i64: 2, 16>, scalar_prefetch = 0 : i64, scratch_operands = 2 : i64, tpu.core_type = #tpu.core_type<tc>, window_params = [{transform_indices = @transform_0, window_bounds = array<i64: 10, 512, 128>}, {transform_indices = @transform_1, window_bounds = array<i64: 1, 512, 128>}, {pipeline_mode = #tpu.pipeline_mode<synchronous>, transform_indices = @transform_2, window_bounds = array<i64: 256, 256>}, {transform_indices = @transform_3, window_bounds = array<i64: 1, 512, 128>}, {transform_indices = @transform_4, window_bounds = array<i64: 1, 512, 256>}, {transform_indices = @transform_5, window_bounds = array<i64: 512, 256>}]} {
    %lt3A = arith.constant 8 : i32
    %lt3A_0 = arith.cmpi slt, %arg1, %lt3A : i32
    %convert_element_type3A = arith.extui %lt3A_0 : i1 to i32
    %cond3A = arith.constant 0 : i32
    %cond3A_1 = arith.cmpi ne, %convert_element_type3A, %cond3A : i32
    scf.if %cond3A_1 {
      %get3A = arith.constant 0 : index
      %get3A_6 = arith.constant 0 : index
      %get3A_7 = arith.constant 0 : index
      %get3A_8 = vector.load %arg2[%get3A, %get3A_6, %get3A_7] : memref<10x512x128xf32, #tpu.memory_space<vmem>>, vector<1x512x128xf32>
      %get3A_9 = vector.shape_cast %get3A_8 : vector<1x512x128xf32> to vector<512x128xf32>
      %mul3A = arith.mulf %get3A_9, %get3A_9 : vector<512x128xf32>
      %get3A_10 = arith.constant 1 : index
      %get3A_11 = arith.constant 0 : index
      %get3A_12 = arith.constant 0 : index
      %get3A_13 = vector.load %arg2[%get3A_10, %get3A_11, %get3A_12] : memref<10x512x128xf32, #tpu.memory_space<vmem>>, vector<1x512x128xf32>
      %get3A_14 = vector.shape_cast %get3A_13 : vector<1x512x128xf32> to vector<512x128xf32>
      %max3A = arith.maximumf %get3A_9, %get3A_14 : vector<512x128xf32>
      %add3A = arith.addf %get3A_9, %get3A_14 : vector<512x128xf32>
      %mul3A_15 = arith.mulf %get3A_14, %get3A_14 : vector<512x128xf32>
      %add3A_16 = arith.addf %mul3A, %mul3A_15 : vector<512x128xf32>
      %get3A_17 = arith.constant 2 : index
      %get3A_18 = arith.constant 0 : index
      %get3A_19 = arith.constant 0 : index
      %get3A_20 = vector.load %arg2[%get3A_17, %get3A_18, %get3A_19] : memref<10x512x128xf32, #tpu.memory_space<vmem>>, vector<1x512x128xf32>
      %get3A_21 = vector.shape_cast %get3A_20 : vector<1x512x128xf32> to vector<512x128xf32>
      %max3A_22 = arith.maximumf %max3A, %get3A_21 : vector<512x128xf32>
      %add3A_23 = arith.addf %add3A, %get3A_21 : vector<512x128xf32>
      %mul3A_24 = arith.mulf %get3A_21, %get3A_21 : vector<512x128xf32>
      %add3A_25 = arith.addf %add3A_16, %mul3A_24 : vector<512x128xf32>
      %get3A_26 = arith.constant 3 : index
      %get3A_27 = arith.constant 0 : index
      %get3A_28 = arith.constant 0 : index
      %get3A_29 = vector.load %arg2[%get3A_26, %get3A_27, %get3A_28] : memref<10x512x128xf32, #tpu.memory_space<vmem>>, vector<1x512x128xf32>
      %get3A_30 = vector.shape_cast %get3A_29 : vector<1x512x128xf32> to vector<512x128xf32>
      %max3A_31 = arith.maximumf %max3A_22, %get3A_30 : vector<512x128xf32>
      %add3A_32 = arith.addf %add3A_23, %get3A_30 : vector<512x128xf32>
      %mul3A_33 = arith.mulf %get3A_30, %get3A_30 : vector<512x128xf32>
      %add3A_34 = arith.addf %add3A_25, %mul3A_33 : vector<512x128xf32>
      %get3A_35 = arith.constant 4 : index
      %get3A_36 = arith.constant 0 : index
      %get3A_37 = arith.constant 0 : index
      %get3A_38 = vector.load %arg2[%get3A_35, %get3A_36, %get3A_37] : memref<10x512x128xf32, #tpu.memory_space<vmem>>, vector<1x512x128xf32>
      %get3A_39 = vector.shape_cast %get3A_38 : vector<1x512x128xf32> to vector<512x128xf32>
      %max3A_40 = arith.maximumf %max3A_31, %get3A_39 : vector<512x128xf32>
      %add3A_41 = arith.addf %add3A_32, %get3A_39 : vector<512x128xf32>
      %mul3A_42 = arith.mulf %get3A_39, %get3A_39 : vector<512x128xf32>
      %add3A_43 = arith.addf %add3A_34, %mul3A_42 : vector<512x128xf32>
      %get3A_44 = arith.constant 5 : index
      %get3A_45 = arith.constant 0 : index
      %get3A_46 = arith.constant 0 : index
      %get3A_47 = vector.load %arg2[%get3A_44, %get3A_45, %get3A_46] : memref<10x512x128xf32, #tpu.memory_space<vmem>>, vector<1x512x128xf32>
      %get3A_48 = vector.shape_cast %get3A_47 : vector<1x512x128xf32> to vector<512x128xf32>
      %max3A_49 = arith.maximumf %max3A_40, %get3A_48 : vector<512x128xf32>
      %add3A_50 = arith.addf %add3A_41, %get3A_48 : vector<512x128xf32>
      %mul3A_51 = arith.mulf %get3A_48, %get3A_48 : vector<512x128xf32>
      %add3A_52 = arith.addf %add3A_43, %mul3A_51 : vector<512x128xf32>
      %get3A_53 = arith.constant 6 : index
      %get3A_54 = arith.constant 0 : index
      %get3A_55 = arith.constant 0 : index
      %get3A_56 = vector.load %arg2[%get3A_53, %get3A_54, %get3A_55] : memref<10x512x128xf32, #tpu.memory_space<vmem>>, vector<1x512x128xf32>
      %get3A_57 = vector.shape_cast %get3A_56 : vector<1x512x128xf32> to vector<512x128xf32>
      %max3A_58 = arith.maximumf %max3A_49, %get3A_57 : vector<512x128xf32>
      %add3A_59 = arith.addf %add3A_50, %get3A_57 : vector<512x128xf32>
      %mul3A_60 = arith.mulf %get3A_57, %get3A_57 : vector<512x128xf32>
      %add3A_61 = arith.addf %add3A_52, %mul3A_60 : vector<512x128xf32>
      %get3A_62 = arith.constant 7 : index
      %get3A_63 = arith.constant 0 : index
      %get3A_64 = arith.constant 0 : index
      %get3A_65 = vector.load %arg2[%get3A_62, %get3A_63, %get3A_64] : memref<10x512x128xf32, #tpu.memory_space<vmem>>, vector<1x512x128xf32>
      %get3A_66 = vector.shape_cast %get3A_65 : vector<1x512x128xf32> to vector<512x128xf32>
      %max3A_67 = arith.maximumf %max3A_58, %get3A_66 : vector<512x128xf32>
      %add3A_68 = arith.addf %add3A_59, %get3A_66 : vector<512x128xf32>
      %mul3A_69 = arith.mulf %get3A_66, %get3A_66 : vector<512x128xf32>
      %add3A_70 = arith.addf %add3A_61, %mul3A_69 : vector<512x128xf32>
      %get3A_71 = arith.constant 8 : index
      %get3A_72 = arith.constant 0 : index
      %get3A_73 = arith.constant 0 : index
      %get3A_74 = vector.load %arg2[%get3A_71, %get3A_72, %get3A_73] : memref<10x512x128xf32, #tpu.memory_space<vmem>>, vector<1x512x128xf32>
      %get3A_75 = vector.shape_cast %get3A_74 : vector<1x512x128xf32> to vector<512x128xf32>
      %max3A_76 = arith.maximumf %max3A_67, %get3A_75 : vector<512x128xf32>
      %add3A_77 = arith.addf %add3A_68, %get3A_75 : vector<512x128xf32>
      %mul3A_78 = arith.mulf %get3A_75, %get3A_75 : vector<512x128xf32>
      %add3A_79 = arith.addf %add3A_70, %mul3A_78 : vector<512x128xf32>
      %get3A_80 = arith.constant 9 : index
      %get3A_81 = arith.constant 0 : index
      %get3A_82 = arith.constant 0 : index
      %get3A_83 = vector.load %arg2[%get3A_80, %get3A_81, %get3A_82] : memref<10x512x128xf32, #tpu.memory_space<vmem>>, vector<1x512x128xf32>
      %get3A_84 = vector.shape_cast %get3A_83 : vector<1x512x128xf32> to vector<512x128xf32>
      %max3A_85 = arith.maximumf %max3A_76, %get3A_84 : vector<512x128xf32>
      %add3A_86 = arith.addf %add3A_77, %get3A_84 : vector<512x128xf32>
      %mul3A_87 = arith.mulf %get3A_84, %get3A_84 : vector<512x128xf32>
      %add3A_88 = arith.addf %add3A_79, %mul3A_87 : vector<512x128xf32>
      %get3A_89 = arith.constant 0 : index
      %get3A_90 = arith.constant 0 : index
      %get3A_91 = arith.constant 0 : index
      %get3A_92 = vector.load %arg3[%get3A_89, %get3A_90, %get3A_91] : memref<1x512x128xf32, #tpu.memory_space<vmem>>, vector<1x512x128xf32>
      %get3A_93 = vector.shape_cast %get3A_92 : vector<1x512x128xf32> to vector<512x128xf32>
      %add3A_94 = arith.addf %get3A_93, %max3A_85 : vector<512x128xf32>
      %mul3A_95 = arith.constant 512 : i32
      %mul3A_96 = arith.muli %arg1, %mul3A_95 : i32
      %swap3A = arith.index_cast %mul3A_96 : i32 to index
      %swap3A_97 = arith.constant 0 : index
      %swap3A_98 = vector.load %arg8[%swap3A, %swap3A_97] : memref<4096x128xf32, #tpu.memory_space<vmem>>, vector<512x128xf32>
      tpu.vector_store %arg8[%swap3A, %swap3A_97], %add3A_94 {strides = array<i32>} : memref<4096x128xf32, #tpu.memory_space<vmem>>, vector<512x128xf32>,
      %reduce_sum3A = arith.constant dense<0.000000e+00> : vector<128xf32>
      %reduce_sum3A_99 = vector.multi_reduction <add>, %get3A_93, %reduce_sum3A [0] : vector<512x128xf32> to vector<128xf32>
      %broadcast_in_dim3A = vector.shape_cast %reduce_sum3A_99 : vector<128xf32> to vector<1x128xf32>
      %mul3A_100 = arith.mulf %get3A_93, %get3A_93 : vector<512x128xf32>
      %reduce_sum3A_101 = arith.constant dense<0.000000e+00> : vector<128xf32>
      %reduce_sum3A_102 = vector.multi_reduction <add>, %mul3A_100, %reduce_sum3A_101 [0] : vector<512x128xf32> to vector<128xf32>
      %broadcast_in_dim3A_103 = vector.shape_cast %reduce_sum3A_102 : vector<128xf32> to vector<1x128xf32>
      %reduce_sum3A_104 = arith.constant dense<0.000000e+00> : vector<128xf32>
      %reduce_sum3A_105 = vector.multi_reduction <add>, %add3A_86, %reduce_sum3A_104 [0] : vector<512x128xf32> to vector<128xf32>
      %broadcast_in_dim3A_106 = vector.shape_cast %reduce_sum3A_105 : vector<128xf32> to vector<1x128xf32>
      %reduce_sum3A_107 = arith.constant dense<0.000000e+00> : vector<128xf32>
      %reduce_sum3A_108 = vector.multi_reduction <add>, %add3A_88, %reduce_sum3A_107 [0] : vector<512x128xf32> to vector<128xf32>
      %broadcast_in_dim3A_109 = vector.shape_cast %reduce_sum3A_108 : vector<128xf32> to vector<1x128xf32>
      %mul3A_110 = arith.mulf %get3A_93, %add3A_86 : vector<512x128xf32>
      %reduce_sum3A_111 = arith.constant dense<0.000000e+00> : vector<128xf32>
      %reduce_sum3A_112 = vector.multi_reduction <add>, %mul3A_110, %reduce_sum3A_111 [0] : vector<512x128xf32> to vector<128xf32>
      %broadcast_in_dim3A_113 = vector.shape_cast %reduce_sum3A_112 : vector<128xf32> to vector<1x128xf32>
      %broadcast_in_dim3A_114 = arith.constant 0.000000e+00 : f32
      %broadcast_in_dim3A_115 = vector.broadcast %broadcast_in_dim3A_114 : f32 to vector<1x128xf32>
      %concatenate3A = tpu.concatenate %broadcast_in_dim3A, %broadcast_in_dim3A_103, %broadcast_in_dim3A_106, %broadcast_in_dim3A_109, %broadcast_in_dim3A_113, %broadcast_in_dim3A_115, %broadcast_in_dim3A_115, %broadcast_in_dim3A_115 in 0 : vector<1x128xf32>, vector<1x128xf32>, vector<1x128xf32>, vector<1x128xf32>, vector<1x128xf32>, vector<1x128xf32>, vector<1x128xf32>, vector<1x128xf32> -> vector<8x128xf32>
      %eq3A = arith.constant 0 : i32
      %eq3A_116 = arith.cmpi eq, %arg1, %eq3A : i32
      %convert_element_type3A_117 = arith.extui %eq3A_116 : i1 to i32
      %cond3A_118 = arith.constant 0 : i32
      %cond3A_119 = arith.cmpi ne, %convert_element_type3A_117, %cond3A_118 : i32
      scf.if %cond3A_119 {
        %swap3A_124 = arith.constant 0 : index
        %swap3A_125 = arith.constant 0 : index
        %swap3A_126 = vector.load %arg9[%swap3A_124, %swap3A_125] : memref<8x128xf32, #tpu.memory_space<vmem>>, vector<8x128xf32>
        tpu.vector_store %arg9[%swap3A_124, %swap3A_125], %concatenate3A {strides = array<i32>} : memref<8x128xf32, #tpu.memory_space<vmem>>, vector<8x128xf32>,
      } else {
      }
      %gt3A = arith.constant 0 : i32
      %gt3A_120 = arith.cmpi sgt, %arg1, %gt3A : i32
      %convert_element_type3A_121 = arith.extui %gt3A_120 : i1 to i32
      %cond3A_122 = arith.constant 0 : i32
      %cond3A_123 = arith.cmpi ne, %convert_element_type3A_121, %cond3A_122 : i32
      scf.if %cond3A_123 {
        %get3A_124 = arith.constant 0 : index
        %get3A_125 = arith.constant 0 : index
        %get3A_126 = vector.load %arg9[%get3A_124, %get3A_125] : memref<8x128xf32, #tpu.memory_space<vmem>>, vector<8x128xf32>
        %add3A_127 = arith.addf %get3A_126, %concatenate3A : vector<8x128xf32>
        %swap3A_128 = arith.constant 0 : index
        %swap3A_129 = arith.constant 0 : index
        %swap3A_130 = vector.load %arg9[%swap3A_128, %swap3A_129] : memref<8x128xf32, #tpu.memory_space<vmem>>, vector<8x128xf32>
        tpu.vector_store %arg9[%swap3A_128, %swap3A_129], %add3A_127 {strides = array<i32>} : memref<8x128xf32, #tpu.memory_space<vmem>>, vector<8x128xf32>,
      } else {
      }
    } else {
    }
    %ge3A = arith.constant 8 : i32
    %ge3A_2 = arith.cmpi sge, %arg1, %ge3A : i32
    %convert_element_type3A_3 = arith.extui %ge3A_2 : i1 to i32
    %cond3A_4 = arith.constant 0 : i32
    %cond3A_5 = arith.cmpi ne, %convert_element_type3A_3, %cond3A_4 : i32
    scf.if %cond3A_5 {
      %sub3A = arith.constant 8 : i32
      %sub3A_6 = arith.subi %arg1, %sub3A : i32
      %get3A = arith.constant 0 : index
      %get3A_7 = arith.constant 0 : index
      %get3A_8 = vector.load %arg9[%get3A, %get3A_7] : memref<8x128xf32, #tpu.memory_space<vmem>>, vector<8x128xf32>
      %slice3A = vector.extract_strided_slice %get3A_8 {offsets = [0, 0], sizes = [1, 128], strides = [1, 1]} : vector<8x128xf32> to vector<1x128xf32>
      %slice3A_9 = vector.extract_strided_slice %get3A_8 {offsets = [1, 0], sizes = [1, 128], strides = [1, 1]} : vector<8x128xf32> to vector<1x128xf32>
      %slice3A_10 = vector.extract_strided_slice %get3A_8 {offsets = [2, 0], sizes = [1, 128], strides = [1, 1]} : vector<8x128xf32> to vector<1x128xf32>
      %slice3A_11 = vector.extract_strided_slice %get3A_8 {offsets = [3, 0], sizes = [1, 128], strides = [1, 1]} : vector<8x128xf32> to vector<1x128xf32>
      %slice3A_12 = vector.extract_strided_slice %get3A_8 {offsets = [4, 0], sizes = [1, 128], strides = [1, 1]} : vector<8x128xf32> to vector<1x128xf32>
      %mul3A = arith.constant 1.000000e+01 : f32
      %mul3A_13 = vector.broadcast %mul3A : f32 to vector<1x128xf32>
      %mul3A_14 = arith.mulf %mul3A_13, %slice3A : vector<1x128xf32>
      %add3A = arith.addf %mul3A_14, %slice3A_10 : vector<1x128xf32>
      %mul3A_15 = arith.constant 2.44140629E-5 : f32
      %mul3A_16 = vector.broadcast %mul3A_15 : f32 to vector<1x128xf32>
      %mul3A_17 = arith.mulf %add3A, %mul3A_16 : vector<1x128xf32>
      %mul3A_18 = arith.constant 1.000000e+01 : f32
      %mul3A_19 = vector.broadcast %mul3A_18 : f32 to vector<1x128xf32>
      %mul3A_20 = arith.mulf %mul3A_19, %slice3A_9 : vector<1x128xf32>
      %mul3A_21 = arith.constant 2.000000e+00 : f32
      %mul3A_22 = vector.broadcast %mul3A_21 : f32 to vector<1x128xf32>
      %mul3A_23 = arith.mulf %mul3A_22, %slice3A_12 : vector<1x128xf32>
      %add3A_24 = arith.addf %mul3A_20, %mul3A_23 : vector<1x128xf32>
      %add3A_25 = arith.addf %add3A_24, %slice3A_11 : vector<1x128xf32>
      %mul3A_26 = arith.constant 2.44140629E-5 : f32
      %mul3A_27 = vector.broadcast %mul3A_26 : f32 to vector<1x128xf32>
      %mul3A_28 = arith.mulf %add3A_25, %mul3A_27 : vector<1x128xf32>
      %mul3A_29 = arith.mulf %mul3A_17, %mul3A_17 : vector<1x128xf32>
      %sub3A_30 = arith.subf %mul3A_28, %mul3A_29 : vector<1x128xf32>
      %add3A_31 = arith.constant 9.99999974E-6 : f32
      %add3A_32 = vector.broadcast %add3A_31 : f32 to vector<1x128xf32>
      %add3A_33 = arith.addf %sub3A_30, %add3A_32 : vector<1x128xf32>
      %rsqrt3A = math.rsqrt %add3A_33 : vector<1x128xf32>
      %mul3A_34 = arith.constant 512 : i32
      %mul3A_35 = arith.muli %sub3A_6, %mul3A_34 : i32
      %get3A_36 = arith.index_cast %mul3A_35 : i32 to index
      %get3A_37 = arith.constant 0 : index
      %get3A_38 = vector.load %arg8[%get3A_36, %get3A_37] : memref<4096x128xf32, #tpu.memory_space<vmem>>, vector<512x128xf32>
      %sub3A_39 = vector.broadcast %mul3A_17 : vector<1x128xf32> to vector<512x128xf32>
      %sub3A_40 = arith.subf %get3A_38, %sub3A_39 : vector<512x128xf32>
      %mul3A_41 = vector.broadcast %rsqrt3A : vector<1x128xf32> to vector<512x128xf32>
      %mul3A_42 = arith.mulf %sub3A_40, %mul3A_41 : vector<512x128xf32>
      %gt3A = arith.constant 0.000000e+00 : f32
      %gt3A_43 = vector.broadcast %gt3A : f32 to vector<512x128xf32>
      %gt3A_44 = arith.cmpf ogt, %mul3A_42, %gt3A_43 : vector<512x128xf32>
      %mul3A_45 = arith.constant 2.000000e-01 : f32
      %mul3A_46 = vector.broadcast %mul3A_45 : f32 to vector<512x128xf32>
      %mul3A_47 = arith.mulf %mul3A_46, %mul3A_42 : vector<512x128xf32>
      %select_n3A = arith.select %gt3A_44, %mul3A_42, %mul3A_47 : vector<512x128xi1>, vector<512x128xf32>
      %swap3A = arith.constant 0 : index
      %swap3A_48 = arith.constant 0 : index
      %swap3A_49 = arith.constant 0 : index
      %swap3A_50 = vector.load %arg5[%swap3A, %swap3A_48, %swap3A_49] : memref<1x512x128xf32, #tpu.memory_space<vmem>>, vector<1x512x128xf32>
      %swap3A_51 = vector.shape_cast %swap3A_50 : vector<1x512x128xf32> to vector<512x128xf32>
      %swap3A_52 = vector.shape_cast %select_n3A : vector<512x128xf32> to vector<1x512x128xf32>
      tpu.vector_store %arg5[%swap3A, %swap3A_48, %swap3A_49], %swap3A_52 {strides = array<i32>} : memref<1x512x128xf32, #tpu.memory_space<vmem>>, vector<1x512x128xf32>,
      %get3A_53 = arith.constant 0 : index
      %get3A_54 = arith.constant 0 : index
      %get3A_55 = vector.load %arg4[%get3A_53, %get3A_54] : memref<256x256xf32, #tpu.memory_space<vmem>>, vector<256x256xf32>
      %slice3A_56 = vector.extract_strided_slice %get3A_55 {offsets = [0, 0], sizes = [256, 128], strides = [1, 1]} : vector<256x256xf32> to vector<256x128xf32>
      %slice3A_57 = vector.extract_strided_slice %get3A_55 {offsets = [0, 128], sizes = [256, 128], strides = [1, 1]} : vector<256x256xf32> to vector<256x128xf32>
      %sub3A_58 = arith.subf %slice3A_56, %slice3A_57 : vector<256x128xf32>
      %slice3A_59 = vector.extract_strided_slice %get3A_55 {offsets = [0, 128], sizes = [256, 128], strides = [1, 1]} : vector<256x256xf32> to vector<256x128xf32>
      %dot_general3A = arith.constant dense<0.000000e+00> : vector<512x256xf32>
      %dot_general3A_60 = tpu.matmul %select_n3A, %sub3A_58, %dot_general3A {dimension_numbers = #tpu.dot_dimension_numbers<[1], [1], [0], [0], [0, 0, 1, 0], [], []>, precision = #tpu.contract_precision<fp32>, transpose_lhs_hint = false} : vector<512x128xf32>, vector<256x128xf32>, vector<512x256xf32> -> vector<512x256xf32>
      %swap3A_61 = arith.constant 0 : index
      %swap3A_62 = arith.constant 0 : index
      %swap3A_63 = arith.constant 0 : index
      %swap3A_64 = vector.load %arg6[%swap3A_61, %swap3A_62, %swap3A_63] : memref<1x512x256xf32, #tpu.memory_space<vmem>>, vector<1x512x256xf32>
      %swap3A_65 = vector.shape_cast %swap3A_64 : vector<1x512x256xf32> to vector<512x256xf32>
      %swap3A_66 = vector.shape_cast %dot_general3A_60 : vector<512x256xf32> to vector<1x512x256xf32>
      tpu.vector_store %arg6[%swap3A_61, %swap3A_62, %swap3A_63], %swap3A_66 {strides = array<i32>} : memref<1x512x256xf32, #tpu.memory_space<vmem>>, vector<1x512x256xf32>,
      %dot_general3A_67 = arith.constant dense<0.000000e+00> : vector<512x256xf32>
      %dot_general3A_68 = tpu.matmul %select_n3A, %slice3A_59, %dot_general3A_67 {dimension_numbers = #tpu.dot_dimension_numbers<[1], [1], [0], [0], [0, 0, 1, 0], [], []>, precision = #tpu.contract_precision<fp32>, transpose_lhs_hint = false} : vector<512x128xf32>, vector<256x128xf32>, vector<512x256xf32> -> vector<512x256xf32>
      %swap3A_69 = arith.constant 0 : index
      %swap3A_70 = arith.constant 0 : index
      %swap3A_71 = vector.load %arg7[%swap3A_69, %swap3A_70] : memref<512x256xf32, #tpu.memory_space<vmem>>, vector<512x256xf32>
      tpu.vector_store %arg7[%swap3A_69, %swap3A_70], %dot_general3A_68 {strides = array<i32>} : memref<512x256xf32, #tpu.memory_space<vmem>>, vector<512x256xf32>,
    } else {
    }
    return
  }
  func.func @transform_0(%arg0: i32, %arg1: i32) -> (i32, i32, i32) {
    %mul3A = arith.constant 8 : i32
    %mul3A_0 = arith.muli %arg0, %mul3A : i32
    %lt3A = arith.constant 8 : i32
    %lt3A_1 = arith.cmpi slt, %arg1, %lt3A : i32
    %jit3A = arith.constant 0 : i32
    %select_n3A = arith.select %lt3A_1, %arg1, %jit3A : i32
    %add3A = arith.addi %mul3A_0, %select_n3A : i32
    %c0_i32 = arith.constant 0 : i32
    %c0_i32_2 = arith.constant 0 : i32
    %c0_i32_3 = arith.constant 0 : i32
    return %c0_i32, %add3A, %c0_i32_2 : i32, i32, i32
  }
  func.func @transform_1(%arg0: i32, %arg1: i32) -> (i32, i32, i32) {
    %lt3A = arith.constant 8 : i32
    %lt3A_0 = arith.cmpi slt, %arg1, %lt3A : i32
    %jit3A = arith.constant 0 : i32
    %select_n3A = arith.select %lt3A_0, %arg1, %jit3A : i32
    %c0_i32 = arith.constant 0 : i32
    %c0_i32_1 = arith.constant 0 : i32
    return %arg0, %select_n3A, %c0_i32 : i32, i32, i32
  }
  func.func @transform_2(%arg0: i32, %arg1: i32) -> (i32, i32) {
    %c0_i32 = arith.constant 0 : i32
    %c0_i32_0 = arith.constant 0 : i32
    %c0_i32_1 = arith.constant 0 : i32
    return %c0_i32, %c0_i32_0 : i32, i32
  }
  func.func @transform_3(%arg0: i32, %arg1: i32) -> (i32, i32, i32) {
    %lt3A = arith.constant 8 : i32
    %lt3A_0 = arith.cmpi slt, %arg1, %lt3A : i32
    %sub3A = arith.constant 8 : i32
    %sub3A_1 = arith.subi %arg1, %sub3A : i32
    %jit3A = arith.constant 0 : i32
    %select_n3A = arith.select %lt3A_0, %jit3A, %sub3A_1 : i32
    %c0_i32 = arith.constant 0 : i32
    %c0_i32_2 = arith.constant 0 : i32
    return %arg0, %select_n3A, %c0_i32 : i32, i32, i32
  }
  func.func @transform_4(%arg0: i32, %arg1: i32) -> (i32, i32, i32) {
    %lt3A = arith.constant 8 : i32
    %lt3A_0 = arith.cmpi slt, %arg1, %lt3A : i32
    %sub3A = arith.constant 8 : i32
    %sub3A_1 = arith.subi %arg1, %sub3A : i32
    %jit3A = arith.constant 0 : i32
    %select_n3A = arith.select %lt3A_0, %jit3A, %sub3A_1 : i32
    %c0_i32 = arith.constant 0 : i32
    %c0_i32_2 = arith.constant 0 : i32
    return %arg0, %select_n3A, %c0_i32 : i32, i32, i32
  }
  func.func @transform_5(%arg0: i32, %arg1: i32) -> (i32, i32) {
    %mul3A = arith.constant 8 : i32
    %mul3A_0 = arith.muli %arg0, %mul3A : i32
    %lt3A = arith.constant 8 : i32
    %lt3A_1 = arith.cmpi slt, %arg1, %lt3A : i32
    %sub3A = arith.constant 8 : i32
    %sub3A_2 = arith.subi %arg1, %sub3A : i32
    %jit3A = arith.constant 0 : i32
    %select_n3A = arith.select %lt3A_1, %jit3A, %sub3A_2 : i32
    %add3A = arith.addi %mul3A_0, %select_n3A : i32
    %c0_i32 = arith.constant 0 : i32
    %c0_i32_3 = arith.constant 0 : i32
    return %add3A, %c0_i32 : i32, i32
  }
}

module attributes {stable_mosaic.version = 14 : i64} {
  func.func @_l2_body(%arg0: i32, %arg1: i32, %arg2: memref<10x512x256xf32, #tpu.memory_space<vmem>>, %arg3: memref<1x512x256xf32, #tpu.memory_space<vmem>>, %arg4: memref<1x512x128xf32, #tpu.memory_space<vmem>>, %arg5: memref<1x512x128xf32, #tpu.memory_space<vmem>>, %arg6: memref<128x512xf32, #tpu.memory_space<vmem>>, %arg7: memref<1x512x128xf32, #tpu.memory_space<vmem>>, %arg8: memref<4096x256xf32, #tpu.memory_space<vmem>>, %arg9: memref<4096x128xf32, #tpu.memory_space<vmem>>, %arg10: memref<8x256xf32, #tpu.memory_space<vmem>>, %arg11: memref<8x128xf32, #tpu.memory_space<vmem>>) attributes {dimension_semantics = [#tpu.dimension_semantics<arbitrary>, #tpu.dimension_semantics<arbitrary>], iteration_bounds = array<i64: 2, 24>, scalar_prefetch = 0 : i64, scratch_operands = 4 : i64, tpu.core_type = #tpu.core_type<tc>, window_params = [{transform_indices = @transform_0, window_bounds = array<i64: 10, 512, 256>}, {transform_indices = @transform_1, window_bounds = array<i64: 1, 512, 256>}, {transform_indices = @transform_2, window_bounds = array<i64: 1, 512, 128>}, {transform_indices = @transform_3, window_bounds = array<i64: 1, 512, 128>}, {pipeline_mode = #tpu.pipeline_mode<synchronous>, transform_indices = @transform_4, window_bounds = array<i64: 128, 512>}, {transform_indices = @transform_5, window_bounds = array<i64: 1, 512, 128>}]} {
    %lt3A = arith.constant 8 : i32
    %lt3A_0 = arith.cmpi slt, %arg1, %lt3A : i32
    %convert_element_type3A = arith.extui %lt3A_0 : i1 to i32
    %cond3A = arith.constant 0 : i32
    %cond3A_1 = arith.cmpi ne, %convert_element_type3A, %cond3A : i32
    scf.if %cond3A_1 {
      %get3A = arith.constant 0 : index
      %get3A_13 = arith.constant 0 : index
      %get3A_14 = arith.constant 0 : index
      %get3A_15 = vector.load %arg2[%get3A, %get3A_13, %get3A_14] : memref<10x512x256xf32, #tpu.memory_space<vmem>>, vector<1x512x256xf32>
      %get3A_16 = vector.shape_cast %get3A_15 : vector<1x512x256xf32> to vector<512x256xf32>
      %mul3A = arith.mulf %get3A_16, %get3A_16 : vector<512x256xf32>
      %get3A_17 = arith.constant 1 : index
      %get3A_18 = arith.constant 0 : index
      %get3A_19 = arith.constant 0 : index
      %get3A_20 = vector.load %arg2[%get3A_17, %get3A_18, %get3A_19] : memref<10x512x256xf32, #tpu.memory_space<vmem>>, vector<1x512x256xf32>
      %get3A_21 = vector.shape_cast %get3A_20 : vector<1x512x256xf32> to vector<512x256xf32>
      %max3A = arith.maximumf %get3A_16, %get3A_21 : vector<512x256xf32>
      %add3A = arith.addf %get3A_16, %get3A_21 : vector<512x256xf32>
      %mul3A_22 = arith.mulf %get3A_21, %get3A_21 : vector<512x256xf32>
      %add3A_23 = arith.addf %mul3A, %mul3A_22 : vector<512x256xf32>
      %get3A_24 = arith.constant 2 : index
      %get3A_25 = arith.constant 0 : index
      %get3A_26 = arith.constant 0 : index
      %get3A_27 = vector.load %arg2[%get3A_24, %get3A_25, %get3A_26] : memref<10x512x256xf32, #tpu.memory_space<vmem>>, vector<1x512x256xf32>
      %get3A_28 = vector.shape_cast %get3A_27 : vector<1x512x256xf32> to vector<512x256xf32>
      %max3A_29 = arith.maximumf %max3A, %get3A_28 : vector<512x256xf32>
      %add3A_30 = arith.addf %add3A, %get3A_28 : vector<512x256xf32>
      %mul3A_31 = arith.mulf %get3A_28, %get3A_28 : vector<512x256xf32>
      %add3A_32 = arith.addf %add3A_23, %mul3A_31 : vector<512x256xf32>
      %get3A_33 = arith.constant 3 : index
      %get3A_34 = arith.constant 0 : index
      %get3A_35 = arith.constant 0 : index
      %get3A_36 = vector.load %arg2[%get3A_33, %get3A_34, %get3A_35] : memref<10x512x256xf32, #tpu.memory_space<vmem>>, vector<1x512x256xf32>
      %get3A_37 = vector.shape_cast %get3A_36 : vector<1x512x256xf32> to vector<512x256xf32>
      %max3A_38 = arith.maximumf %max3A_29, %get3A_37 : vector<512x256xf32>
      %add3A_39 = arith.addf %add3A_30, %get3A_37 : vector<512x256xf32>
      %mul3A_40 = arith.mulf %get3A_37, %get3A_37 : vector<512x256xf32>
      %add3A_41 = arith.addf %add3A_32, %mul3A_40 : vector<512x256xf32>
      %get3A_42 = arith.constant 4 : index
      %get3A_43 = arith.constant 0 : index
      %get3A_44 = arith.constant 0 : index
      %get3A_45 = vector.load %arg2[%get3A_42, %get3A_43, %get3A_44] : memref<10x512x256xf32, #tpu.memory_space<vmem>>, vector<1x512x256xf32>
      %get3A_46 = vector.shape_cast %get3A_45 : vector<1x512x256xf32> to vector<512x256xf32>
      %max3A_47 = arith.maximumf %max3A_38, %get3A_46 : vector<512x256xf32>
      %add3A_48 = arith.addf %add3A_39, %get3A_46 : vector<512x256xf32>
      %mul3A_49 = arith.mulf %get3A_46, %get3A_46 : vector<512x256xf32>
      %add3A_50 = arith.addf %add3A_41, %mul3A_49 : vector<512x256xf32>
      %get3A_51 = arith.constant 5 : index
      %get3A_52 = arith.constant 0 : index
      %get3A_53 = arith.constant 0 : index
      %get3A_54 = vector.load %arg2[%get3A_51, %get3A_52, %get3A_53] : memref<10x512x256xf32, #tpu.memory_space<vmem>>, vector<1x512x256xf32>
      %get3A_55 = vector.shape_cast %get3A_54 : vector<1x512x256xf32> to vector<512x256xf32>
      %max3A_56 = arith.maximumf %max3A_47, %get3A_55 : vector<512x256xf32>
      %add3A_57 = arith.addf %add3A_48, %get3A_55 : vector<512x256xf32>
      %mul3A_58 = arith.mulf %get3A_55, %get3A_55 : vector<512x256xf32>
      %add3A_59 = arith.addf %add3A_50, %mul3A_58 : vector<512x256xf32>
      %get3A_60 = arith.constant 6 : index
      %get3A_61 = arith.constant 0 : index
      %get3A_62 = arith.constant 0 : index
      %get3A_63 = vector.load %arg2[%get3A_60, %get3A_61, %get3A_62] : memref<10x512x256xf32, #tpu.memory_space<vmem>>, vector<1x512x256xf32>
      %get3A_64 = vector.shape_cast %get3A_63 : vector<1x512x256xf32> to vector<512x256xf32>
      %max3A_65 = arith.maximumf %max3A_56, %get3A_64 : vector<512x256xf32>
      %add3A_66 = arith.addf %add3A_57, %get3A_64 : vector<512x256xf32>
      %mul3A_67 = arith.mulf %get3A_64, %get3A_64 : vector<512x256xf32>
      %add3A_68 = arith.addf %add3A_59, %mul3A_67 : vector<512x256xf32>
      %get3A_69 = arith.constant 7 : index
      %get3A_70 = arith.constant 0 : index
      %get3A_71 = arith.constant 0 : index
      %get3A_72 = vector.load %arg2[%get3A_69, %get3A_70, %get3A_71] : memref<10x512x256xf32, #tpu.memory_space<vmem>>, vector<1x512x256xf32>
      %get3A_73 = vector.shape_cast %get3A_72 : vector<1x512x256xf32> to vector<512x256xf32>
      %max3A_74 = arith.maximumf %max3A_65, %get3A_73 : vector<512x256xf32>
      %add3A_75 = arith.addf %add3A_66, %get3A_73 : vector<512x256xf32>
      %mul3A_76 = arith.mulf %get3A_73, %get3A_73 : vector<512x256xf32>
      %add3A_77 = arith.addf %add3A_68, %mul3A_76 : vector<512x256xf32>
      %get3A_78 = arith.constant 8 : index
      %get3A_79 = arith.constant 0 : index
      %get3A_80 = arith.constant 0 : index
      %get3A_81 = vector.load %arg2[%get3A_78, %get3A_79, %get3A_80] : memref<10x512x256xf32, #tpu.memory_space<vmem>>, vector<1x512x256xf32>
      %get3A_82 = vector.shape_cast %get3A_81 : vector<1x512x256xf32> to vector<512x256xf32>
      %max3A_83 = arith.maximumf %max3A_74, %get3A_82 : vector<512x256xf32>
      %add3A_84 = arith.addf %add3A_75, %get3A_82 : vector<512x256xf32>
      %mul3A_85 = arith.mulf %get3A_82, %get3A_82 : vector<512x256xf32>
      %add3A_86 = arith.addf %add3A_77, %mul3A_85 : vector<512x256xf32>
      %get3A_87 = arith.constant 9 : index
      %get3A_88 = arith.constant 0 : index
      %get3A_89 = arith.constant 0 : index
      %get3A_90 = vector.load %arg2[%get3A_87, %get3A_88, %get3A_89] : memref<10x512x256xf32, #tpu.memory_space<vmem>>, vector<1x512x256xf32>
      %get3A_91 = vector.shape_cast %get3A_90 : vector<1x512x256xf32> to vector<512x256xf32>
      %max3A_92 = arith.maximumf %max3A_83, %get3A_91 : vector<512x256xf32>
      %add3A_93 = arith.addf %add3A_84, %get3A_91 : vector<512x256xf32>
      %mul3A_94 = arith.mulf %get3A_91, %get3A_91 : vector<512x256xf32>
      %add3A_95 = arith.addf %add3A_86, %mul3A_94 : vector<512x256xf32>
      %get3A_96 = arith.constant 0 : index
      %get3A_97 = arith.constant 0 : index
      %get3A_98 = arith.constant 0 : index
      %get3A_99 = vector.load %arg3[%get3A_96, %get3A_97, %get3A_98] : memref<1x512x256xf32, #tpu.memory_space<vmem>>, vector<1x512x256xf32>
      %get3A_100 = vector.shape_cast %get3A_99 : vector<1x512x256xf32> to vector<512x256xf32>
      %add3A_101 = arith.addf %get3A_100, %max3A_92 : vector<512x256xf32>
      %mul3A_102 = arith.constant 512 : i32
      %mul3A_103 = arith.muli %arg1, %mul3A_102 : i32
      %swap3A = arith.index_cast %mul3A_103 : i32 to index
      %swap3A_104 = arith.constant 0 : index
      %swap3A_105 = vector.load %arg8[%swap3A, %swap3A_104] : memref<4096x256xf32, #tpu.memory_space<vmem>>, vector<512x256xf32>
      tpu.vector_store %arg8[%swap3A, %swap3A_104], %add3A_101 {strides = array<i32>} : memref<4096x256xf32, #tpu.memory_space<vmem>>, vector<512x256xf32>,
      %reduce_sum3A = arith.constant dense<0.000000e+00> : vector<256xf32>
      %reduce_sum3A_106 = vector.multi_reduction <add>, %get3A_100, %reduce_sum3A [0] : vector<512x256xf32> to vector<256xf32>
      %broadcast_in_dim3A = vector.shape_cast %reduce_sum3A_106 : vector<256xf32> to vector<1x256xf32>
      %mul3A_107 = arith.mulf %get3A_100, %get3A_100 : vector<512x256xf32>
      %reduce_sum3A_108 = arith.constant dense<0.000000e+00> : vector<256xf32>
      %reduce_sum3A_109 = vector.multi_reduction <add>, %mul3A_107, %reduce_sum3A_108 [0] : vector<512x256xf32> to vector<256xf32>
      %broadcast_in_dim3A_110 = vector.shape_cast %reduce_sum3A_109 : vector<256xf32> to vector<1x256xf32>
      %reduce_sum3A_111 = arith.constant dense<0.000000e+00> : vector<256xf32>
      %reduce_sum3A_112 = vector.multi_reduction <add>, %add3A_93, %reduce_sum3A_111 [0] : vector<512x256xf32> to vector<256xf32>
      %broadcast_in_dim3A_113 = vector.shape_cast %reduce_sum3A_112 : vector<256xf32> to vector<1x256xf32>
      %reduce_sum3A_114 = arith.constant dense<0.000000e+00> : vector<256xf32>
      %reduce_sum3A_115 = vector.multi_reduction <add>, %add3A_95, %reduce_sum3A_114 [0] : vector<512x256xf32> to vector<256xf32>
      %broadcast_in_dim3A_116 = vector.shape_cast %reduce_sum3A_115 : vector<256xf32> to vector<1x256xf32>
      %mul3A_117 = arith.mulf %get3A_100, %add3A_93 : vector<512x256xf32>
      %reduce_sum3A_118 = arith.constant dense<0.000000e+00> : vector<256xf32>
      %reduce_sum3A_119 = vector.multi_reduction <add>, %mul3A_117, %reduce_sum3A_118 [0] : vector<512x256xf32> to vector<256xf32>
      %broadcast_in_dim3A_120 = vector.shape_cast %reduce_sum3A_119 : vector<256xf32> to vector<1x256xf32>
      %broadcast_in_dim3A_121 = arith.constant 0.000000e+00 : f32
      %broadcast_in_dim3A_122 = vector.broadcast %broadcast_in_dim3A_121 : f32 to vector<1x256xf32>
      %concatenate3A = tpu.concatenate %broadcast_in_dim3A, %broadcast_in_dim3A_110, %broadcast_in_dim3A_113, %broadcast_in_dim3A_116, %broadcast_in_dim3A_120, %broadcast_in_dim3A_122, %broadcast_in_dim3A_122, %broadcast_in_dim3A_122 in 0 : vector<1x256xf32>, vector<1x256xf32>, vector<1x256xf32>, vector<1x256xf32>, vector<1x256xf32>, vector<1x256xf32>, vector<1x256xf32>, vector<1x256xf32> -> vector<8x256xf32>
      %eq3A = arith.constant 0 : i32
      %eq3A_123 = arith.cmpi eq, %arg1, %eq3A : i32
      %convert_element_type3A_124 = arith.extui %eq3A_123 : i1 to i32
      %cond3A_125 = arith.constant 0 : i32
      %cond3A_126 = arith.cmpi ne, %convert_element_type3A_124, %cond3A_125 : i32
      scf.if %cond3A_126 {
        %swap3A_131 = arith.constant 0 : index
        %swap3A_132 = arith.constant 0 : index
        %swap3A_133 = vector.load %arg10[%swap3A_131, %swap3A_132] : memref<8x256xf32, #tpu.memory_space<vmem>>, vector<8x256xf32>
        tpu.vector_store %arg10[%swap3A_131, %swap3A_132], %concatenate3A {strides = array<i32>} : memref<8x256xf32, #tpu.memory_space<vmem>>, vector<8x256xf32>,
      } else {
      }
      %gt3A = arith.constant 0 : i32
      %gt3A_127 = arith.cmpi sgt, %arg1, %gt3A : i32
      %convert_element_type3A_128 = arith.extui %gt3A_127 : i1 to i32
      %cond3A_129 = arith.constant 0 : i32
      %cond3A_130 = arith.cmpi ne, %convert_element_type3A_128, %cond3A_129 : i32
      scf.if %cond3A_130 {
        %get3A_131 = arith.constant 0 : index
        %get3A_132 = arith.constant 0 : index
        %get3A_133 = vector.load %arg10[%get3A_131, %get3A_132] : memref<8x256xf32, #tpu.memory_space<vmem>>, vector<8x256xf32>
        %add3A_134 = arith.addf %get3A_133, %concatenate3A : vector<8x256xf32>
        %swap3A_135 = arith.constant 0 : index
        %swap3A_136 = arith.constant 0 : index
        %swap3A_137 = vector.load %arg10[%swap3A_135, %swap3A_136] : memref<8x256xf32, #tpu.memory_space<vmem>>, vector<8x256xf32>
        tpu.vector_store %arg10[%swap3A_135, %swap3A_136], %add3A_134 {strides = array<i32>} : memref<8x256xf32, #tpu.memory_space<vmem>>, vector<8x256xf32>,
      } else {
      }
    } else {
    }
    %ge3A = arith.constant 8 : i32
    %ge3A_2 = arith.cmpi sge, %arg1, %ge3A : i32
    %lt3A_3 = arith.constant 16 : i32
    %lt3A_4 = arith.cmpi slt, %arg1, %lt3A_3 : i32
    %and3A = arith.andi %ge3A_2, %lt3A_4 : i1
    %convert_element_type3A_5 = arith.extui %and3A : i1 to i32
    %cond3A_6 = arith.constant 0 : i32
    %cond3A_7 = arith.cmpi ne, %convert_element_type3A_5, %cond3A_6 : i32
    scf.if %cond3A_7 {
      %sub3A = arith.constant 8 : i32
      %sub3A_13 = arith.subi %arg1, %sub3A : i32
      %get3A = arith.constant 0 : index
      %get3A_14 = arith.constant 0 : index
      %get3A_15 = vector.load %arg10[%get3A, %get3A_14] : memref<8x256xf32, #tpu.memory_space<vmem>>, vector<8x256xf32>
      %slice3A = vector.extract_strided_slice %get3A_15 {offsets = [0, 0], sizes = [1, 256], strides = [1, 1]} : vector<8x256xf32> to vector<1x256xf32>
      %slice3A_16 = vector.extract_strided_slice %get3A_15 {offsets = [1, 0], sizes = [1, 256], strides = [1, 1]} : vector<8x256xf32> to vector<1x256xf32>
      %slice3A_17 = vector.extract_strided_slice %get3A_15 {offsets = [2, 0], sizes = [1, 256], strides = [1, 1]} : vector<8x256xf32> to vector<1x256xf32>
      %slice3A_18 = vector.extract_strided_slice %get3A_15 {offsets = [3, 0], sizes = [1, 256], strides = [1, 1]} : vector<8x256xf32> to vector<1x256xf32>
      %slice3A_19 = vector.extract_strided_slice %get3A_15 {offsets = [4, 0], sizes = [1, 256], strides = [1, 1]} : vector<8x256xf32> to vector<1x256xf32>
      %mul3A = arith.constant 1.000000e+01 : f32
      %mul3A_20 = vector.broadcast %mul3A : f32 to vector<1x256xf32>
      %mul3A_21 = arith.mulf %mul3A_20, %slice3A : vector<1x256xf32>
      %add3A = arith.addf %mul3A_21, %slice3A_17 : vector<1x256xf32>
      %mul3A_22 = arith.constant 2.44140629E-5 : f32
      %mul3A_23 = vector.broadcast %mul3A_22 : f32 to vector<1x256xf32>
      %mul3A_24 = arith.mulf %add3A, %mul3A_23 : vector<1x256xf32>
      %mul3A_25 = arith.constant 1.000000e+01 : f32
      %mul3A_26 = vector.broadcast %mul3A_25 : f32 to vector<1x256xf32>
      %mul3A_27 = arith.mulf %mul3A_26, %slice3A_16 : vector<1x256xf32>
      %mul3A_28 = arith.constant 2.000000e+00 : f32
      %mul3A_29 = vector.broadcast %mul3A_28 : f32 to vector<1x256xf32>
      %mul3A_30 = arith.mulf %mul3A_29, %slice3A_19 : vector<1x256xf32>
      %add3A_31 = arith.addf %mul3A_27, %mul3A_30 : vector<1x256xf32>
      %add3A_32 = arith.addf %add3A_31, %slice3A_18 : vector<1x256xf32>
      %mul3A_33 = arith.constant 2.44140629E-5 : f32
      %mul3A_34 = vector.broadcast %mul3A_33 : f32 to vector<1x256xf32>
      %mul3A_35 = arith.mulf %add3A_32, %mul3A_34 : vector<1x256xf32>
      %mul3A_36 = arith.mulf %mul3A_24, %mul3A_24 : vector<1x256xf32>
      %sub3A_37 = arith.subf %mul3A_35, %mul3A_36 : vector<1x256xf32>
      %add3A_38 = arith.constant 9.99999974E-6 : f32
      %add3A_39 = vector.broadcast %add3A_38 : f32 to vector<1x256xf32>
      %add3A_40 = arith.addf %sub3A_37, %add3A_39 : vector<1x256xf32>
      %rsqrt3A = math.rsqrt %add3A_40 : vector<1x256xf32>
      %mul3A_41 = arith.constant 512 : i32
      %mul3A_42 = arith.muli %sub3A_13, %mul3A_41 : i32
      %get3A_43 = arith.index_cast %mul3A_42 : i32 to index
      %get3A_44 = arith.constant 0 : index
      %get3A_45 = vector.load %arg8[%get3A_43, %get3A_44] : memref<4096x256xf32, #tpu.memory_space<vmem>>, vector<512x256xf32>
      %sub3A_46 = vector.broadcast %mul3A_24 : vector<1x256xf32> to vector<512x256xf32>
      %sub3A_47 = arith.subf %get3A_45, %sub3A_46 : vector<512x256xf32>
      %mul3A_48 = vector.broadcast %rsqrt3A : vector<1x256xf32> to vector<512x256xf32>
      %mul3A_49 = arith.mulf %sub3A_47, %mul3A_48 : vector<512x256xf32>
      %gt3A = arith.constant 0.000000e+00 : f32
      %gt3A_50 = vector.broadcast %gt3A : f32 to vector<512x256xf32>
      %gt3A_51 = arith.cmpf ogt, %mul3A_49, %gt3A_50 : vector<512x256xf32>
      %mul3A_52 = arith.constant 2.000000e-01 : f32
      %mul3A_53 = vector.broadcast %mul3A_52 : f32 to vector<512x256xf32>
      %mul3A_54 = arith.mulf %mul3A_53, %mul3A_49 : vector<512x256xf32>
      %select_n3A = arith.select %gt3A_51, %mul3A_49, %mul3A_54 : vector<512x256xi1>, vector<512x256xf32>
      %get3A_55 = arith.constant 0 : index
      %get3A_56 = arith.constant 0 : index
      %get3A_57 = vector.load %arg6[%get3A_55, %get3A_56] : memref<128x512xf32, #tpu.memory_space<vmem>>, vector<128x512xf32>
      %get3A_58 = arith.constant 0 : index
      %get3A_59 = arith.constant 0 : index
      %get3A_60 = arith.constant 0 : index
      %get3A_61 = vector.load %arg4[%get3A_58, %get3A_59, %get3A_60] : memref<1x512x128xf32, #tpu.memory_space<vmem>>, vector<1x512x128xf32>
      %get3A_62 = vector.shape_cast %get3A_61 : vector<1x512x128xf32> to vector<512x128xf32>
      %slice3A_63 = vector.extract_strided_slice %get3A_57 {offsets = [0, 0], sizes = [128, 128], strides = [1, 1]} : vector<128x512xf32> to vector<128x128xf32>
      %dot_general3A = arith.constant dense<0.000000e+00> : vector<512x128xf32>
      %dot_general3A_64 = tpu.matmul %get3A_62, %slice3A_63, %dot_general3A {dimension_numbers = #tpu.dot_dimension_numbers<[1], [1], [0], [0], [0, 0, 1, 0], [], []>, precision = #tpu.contract_precision<fp32>, transpose_lhs_hint = false} : vector<512x128xf32>, vector<128x128xf32>, vector<512x128xf32> -> vector<512x128xf32>
      %get3A_65 = arith.constant 0 : index
      %get3A_66 = arith.constant 0 : index
      %get3A_67 = arith.constant 0 : index
      %get3A_68 = vector.load %arg5[%get3A_65, %get3A_66, %get3A_67] : memref<1x512x128xf32, #tpu.memory_space<vmem>>, vector<1x512x128xf32>
      %get3A_69 = vector.shape_cast %get3A_68 : vector<1x512x128xf32> to vector<512x128xf32>
      %slice3A_70 = vector.extract_strided_slice %get3A_57 {offsets = [0, 128], sizes = [128, 128], strides = [1, 1]} : vector<128x512xf32> to vector<128x128xf32>
      %dot_general3A_71 = arith.constant dense<0.000000e+00> : vector<512x128xf32>
      %dot_general3A_72 = tpu.matmul %get3A_69, %slice3A_70, %dot_general3A_71 {dimension_numbers = #tpu.dot_dimension_numbers<[1], [1], [0], [0], [0, 0, 1, 0], [], []>, precision = #tpu.contract_precision<fp32>, transpose_lhs_hint = false} : vector<512x128xf32>, vector<128x128xf32>, vector<512x128xf32> -> vector<512x128xf32>
      %add3A_73 = arith.addf %dot_general3A_64, %dot_general3A_72 : vector<512x128xf32>
      %slice3A_74 = vector.extract_strided_slice %get3A_57 {offsets = [0, 256], sizes = [128, 256], strides = [1, 1]} : vector<128x512xf32> to vector<128x256xf32>
      %dot_general3A_75 = arith.constant dense<0.000000e+00> : vector<512x128xf32>
      %dot_general3A_76 = tpu.matmul %select_n3A, %slice3A_74, %dot_general3A_75 {dimension_numbers = #tpu.dot_dimension_numbers<[1], [1], [0], [0], [0, 0, 1, 0], [], []>, precision = #tpu.contract_precision<fp32>, transpose_lhs_hint = false} : vector<512x256xf32>, vector<128x256xf32>, vector<512x128xf32> -> vector<512x128xf32>
      %add3A_77 = arith.addf %add3A_73, %dot_general3A_76 : vector<512x128xf32>
      %mul3A_78 = arith.constant 512 : i32
      %mul3A_79 = arith.muli %sub3A_13, %mul3A_78 : i32
      %swap3A = arith.index_cast %mul3A_79 : i32 to index
      %swap3A_80 = arith.constant 0 : index
      %swap3A_81 = vector.load %arg9[%swap3A, %swap3A_80] : memref<4096x128xf32, #tpu.memory_space<vmem>>, vector<512x128xf32>
      tpu.vector_store %arg9[%swap3A, %swap3A_80], %add3A_77 {strides = array<i32>} : memref<4096x128xf32, #tpu.memory_space<vmem>>, vector<512x128xf32>,
      %reduce_sum3A = arith.constant dense<0.000000e+00> : vector<128xf32>
      %reduce_sum3A_82 = vector.multi_reduction <add>, %add3A_77, %reduce_sum3A [0] : vector<512x128xf32> to vector<128xf32>
      %broadcast_in_dim3A = vector.shape_cast %reduce_sum3A_82 : vector<128xf32> to vector<1x128xf32>
      %mul3A_83 = arith.mulf %add3A_77, %add3A_77 : vector<512x128xf32>
      %reduce_sum3A_84 = arith.constant dense<0.000000e+00> : vector<128xf32>
      %reduce_sum3A_85 = vector.multi_reduction <add>, %mul3A_83, %reduce_sum3A_84 [0] : vector<512x128xf32> to vector<128xf32>
      %broadcast_in_dim3A_86 = vector.shape_cast %reduce_sum3A_85 : vector<128xf32> to vector<1x128xf32>
      %broadcast_in_dim3A_87 = arith.constant 0.000000e+00 : f32
      %broadcast_in_dim3A_88 = vector.broadcast %broadcast_in_dim3A_87 : f32 to vector<1x128xf32>
      %concatenate3A = tpu.concatenate %broadcast_in_dim3A, %broadcast_in_dim3A_86, %broadcast_in_dim3A_88, %broadcast_in_dim3A_88, %broadcast_in_dim3A_88, %broadcast_in_dim3A_88, %broadcast_in_dim3A_88, %broadcast_in_dim3A_88 in 0 : vector<1x128xf32>, vector<1x128xf32>, vector<1x128xf32>, vector<1x128xf32>, vector<1x128xf32>, vector<1x128xf32>, vector<1x128xf32>, vector<1x128xf32> -> vector<8x128xf32>
      %eq3A = arith.constant 0 : i32
      %eq3A_89 = arith.cmpi eq, %sub3A_13, %eq3A : i32
      %convert_element_type3A_90 = arith.extui %eq3A_89 : i1 to i32
      %cond3A_91 = arith.constant 0 : i32
      %cond3A_92 = arith.cmpi ne, %convert_element_type3A_90, %cond3A_91 : i32
      scf.if %cond3A_92 {
        %swap3A_98 = arith.constant 0 : index
        %swap3A_99 = arith.constant 0 : index
        %swap3A_100 = vector.load %arg11[%swap3A_98, %swap3A_99] : memref<8x128xf32, #tpu.memory_space<vmem>>, vector<8x128xf32>
        tpu.vector_store %arg11[%swap3A_98, %swap3A_99], %concatenate3A {strides = array<i32>} : memref<8x128xf32, #tpu.memory_space<vmem>>, vector<8x128xf32>,
      } else {
      }
      %gt3A_93 = arith.constant 0 : i32
      %gt3A_94 = arith.cmpi sgt, %sub3A_13, %gt3A_93 : i32
      %convert_element_type3A_95 = arith.extui %gt3A_94 : i1 to i32
      %cond3A_96 = arith.constant 0 : i32
      %cond3A_97 = arith.cmpi ne, %convert_element_type3A_95, %cond3A_96 : i32
      scf.if %cond3A_97 {
        %get3A_98 = arith.constant 0 : index
        %get3A_99 = arith.constant 0 : index
        %get3A_100 = vector.load %arg11[%get3A_98, %get3A_99] : memref<8x128xf32, #tpu.memory_space<vmem>>, vector<8x128xf32>
        %add3A_101 = arith.addf %get3A_100, %concatenate3A : vector<8x128xf32>
        %swap3A_102 = arith.constant 0 : index
        %swap3A_103 = arith.constant 0 : index
        %swap3A_104 = vector.load %arg11[%swap3A_102, %swap3A_103] : memref<8x128xf32, #tpu.memory_space<vmem>>, vector<8x128xf32>
        tpu.vector_store %arg11[%swap3A_102, %swap3A_103], %add3A_101 {strides = array<i32>} : memref<8x128xf32, #tpu.memory_space<vmem>>, vector<8x128xf32>,
      } else {
      }
    } else {
    }
    %ge3A_8 = arith.constant 16 : i32
    %ge3A_9 = arith.cmpi sge, %arg1, %ge3A_8 : i32
    %convert_element_type3A_10 = arith.extui %ge3A_9 : i1 to i32
    %cond3A_11 = arith.constant 0 : i32
    %cond3A_12 = arith.cmpi ne, %convert_element_type3A_10, %cond3A_11 : i32
    scf.if %cond3A_12 {
      %sub3A = arith.constant 16 : i32
      %sub3A_13 = arith.subi %arg1, %sub3A : i32
      %get3A = arith.constant 0 : index
      %get3A_14 = arith.constant 0 : index
      %get3A_15 = vector.load %arg11[%get3A, %get3A_14] : memref<8x128xf32, #tpu.memory_space<vmem>>, vector<8x128xf32>
      %slice3A = vector.extract_strided_slice %get3A_15 {offsets = [0, 0], sizes = [1, 128], strides = [1, 1]} : vector<8x128xf32> to vector<1x128xf32>
      %div3A = arith.constant 4.096000e+03 : f32
      %div3A_16 = vector.broadcast %div3A : f32 to vector<1x128xf32>
      %div3A_17 = arith.divf %slice3A, %div3A_16 : vector<1x128xf32>
      %slice3A_18 = vector.extract_strided_slice %get3A_15 {offsets = [1, 0], sizes = [1, 128], strides = [1, 1]} : vector<8x128xf32> to vector<1x128xf32>
      %div3A_19 = arith.constant 4.096000e+03 : f32
      %div3A_20 = vector.broadcast %div3A_19 : f32 to vector<1x128xf32>
      %div3A_21 = arith.divf %slice3A_18, %div3A_20 : vector<1x128xf32>
      %mul3A = arith.mulf %div3A_17, %div3A_17 : vector<1x128xf32>
      %sub3A_22 = arith.subf %div3A_21, %mul3A : vector<1x128xf32>
      %mul3A_23 = arith.constant 512 : i32
      %mul3A_24 = arith.muli %sub3A_13, %mul3A_23 : i32
      %get3A_25 = arith.index_cast %mul3A_24 : i32 to index
      %get3A_26 = arith.constant 0 : index
      %get3A_27 = vector.load %arg9[%get3A_25, %get3A_26] : memref<4096x128xf32, #tpu.memory_space<vmem>>, vector<512x128xf32>
      %sub3A_28 = vector.broadcast %div3A_17 : vector<1x128xf32> to vector<512x128xf32>
      %sub3A_29 = arith.subf %get3A_27, %sub3A_28 : vector<512x128xf32>
      %add3A = arith.constant 9.99999974E-6 : f32
      %add3A_30 = vector.broadcast %add3A : f32 to vector<1x128xf32>
      %add3A_31 = arith.addf %sub3A_22, %add3A_30 : vector<1x128xf32>
      %rsqrt3A = math.rsqrt %add3A_31 : vector<1x128xf32>
      %mul3A_32 = vector.broadcast %rsqrt3A : vector<1x128xf32> to vector<512x128xf32>
      %mul3A_33 = arith.mulf %sub3A_29, %mul3A_32 : vector<512x128xf32>
      %gt3A = arith.constant 0.000000e+00 : f32
      %gt3A_34 = vector.broadcast %gt3A : f32 to vector<512x128xf32>
      %gt3A_35 = arith.cmpf ogt, %mul3A_33, %gt3A_34 : vector<512x128xf32>
      %mul3A_36 = arith.constant 2.000000e-01 : f32
      %mul3A_37 = vector.broadcast %mul3A_36 : f32 to vector<512x128xf32>
      %mul3A_38 = arith.mulf %mul3A_37, %mul3A_33 : vector<512x128xf32>
      %select_n3A = arith.select %gt3A_35, %mul3A_33, %mul3A_38 : vector<512x128xi1>, vector<512x128xf32>
      %swap3A = arith.constant 0 : index
      %swap3A_39 = arith.constant 0 : index
      %swap3A_40 = arith.constant 0 : index
      %swap3A_41 = vector.load %arg7[%swap3A, %swap3A_39, %swap3A_40] : memref<1x512x128xf32, #tpu.memory_space<vmem>>, vector<1x512x128xf32>
      %swap3A_42 = vector.shape_cast %swap3A_41 : vector<1x512x128xf32> to vector<512x128xf32>
      %swap3A_43 = vector.shape_cast %select_n3A : vector<512x128xf32> to vector<1x512x128xf32>
      tpu.vector_store %arg7[%swap3A, %swap3A_39, %swap3A_40], %swap3A_43 {strides = array<i32>} : memref<1x512x128xf32, #tpu.memory_space<vmem>>, vector<1x512x128xf32>,
    } else {
    }
    return
  }
  func.func @transform_0(%arg0: i32, %arg1: i32) -> (i32, i32, i32) {
    %mul3A = arith.constant 8 : i32
    %mul3A_0 = arith.muli %arg0, %mul3A : i32
    %lt3A = arith.constant 8 : i32
    %lt3A_1 = arith.cmpi slt, %arg1, %lt3A : i32
    %jit3A = arith.constant 0 : i32
    %select_n3A = arith.select %lt3A_1, %arg1, %jit3A : i32
    %add3A = arith.addi %mul3A_0, %select_n3A : i32
    %c0_i32 = arith.constant 0 : i32
    %c0_i32_2 = arith.constant 0 : i32
    %c0_i32_3 = arith.constant 0 : i32
    return %c0_i32, %add3A, %c0_i32_2 : i32, i32, i32
  }
  func.func @transform_1(%arg0: i32, %arg1: i32) -> (i32, i32, i32) {
    %lt3A = arith.constant 8 : i32
    %lt3A_0 = arith.cmpi slt, %arg1, %lt3A : i32
    %jit3A = arith.constant 0 : i32
    %select_n3A = arith.select %lt3A_0, %arg1, %jit3A : i32
    %c0_i32 = arith.constant 0 : i32
    %c0_i32_1 = arith.constant 0 : i32
    return %arg0, %select_n3A, %c0_i32 : i32, i32, i32
  }
  func.func @transform_2(%arg0: i32, %arg1: i32) -> (i32, i32, i32) {
    %ge3A = arith.constant 8 : i32
    %ge3A_0 = arith.cmpi sge, %arg1, %ge3A : i32
    %lt3A = arith.constant 16 : i32
    %lt3A_1 = arith.cmpi slt, %arg1, %lt3A : i32
    %and3A = arith.andi %ge3A_0, %lt3A_1 : i1
    %sub3A = arith.constant 8 : i32
    %sub3A_2 = arith.subi %arg1, %sub3A : i32
    %jit3A = arith.constant 0 : i32
    %select_n3A = arith.select %and3A, %sub3A_2, %jit3A : i32
    %c0_i32 = arith.constant 0 : i32
    %c0_i32_3 = arith.constant 0 : i32
    return %arg0, %select_n3A, %c0_i32 : i32, i32, i32
  }
  func.func @transform_3(%arg0: i32, %arg1: i32) -> (i32, i32, i32) {
    %ge3A = arith.constant 8 : i32
    %ge3A_0 = arith.cmpi sge, %arg1, %ge3A : i32
    %lt3A = arith.constant 16 : i32
    %lt3A_1 = arith.cmpi slt, %arg1, %lt3A : i32
    %and3A = arith.andi %ge3A_0, %lt3A_1 : i1
    %sub3A = arith.constant 8 : i32
    %sub3A_2 = arith.subi %arg1, %sub3A : i32
    %jit3A = arith.constant 0 : i32
    %select_n3A = arith.select %and3A, %sub3A_2, %jit3A : i32
    %c0_i32 = arith.constant 0 : i32
    %c0_i32_3 = arith.constant 0 : i32
    return %arg0, %select_n3A, %c0_i32 : i32, i32, i32
  }
  func.func @transform_4(%arg0: i32, %arg1: i32) -> (i32, i32) {
    %c0_i32 = arith.constant 0 : i32
    %c0_i32_0 = arith.constant 0 : i32
    %c0_i32_1 = arith.constant 0 : i32
    return %c0_i32, %c0_i32_0 : i32, i32
  }
  func.func @transform_5(%arg0: i32, %arg1: i32) -> (i32, i32, i32) {
    %lt3A = arith.constant 16 : i32
    %lt3A_0 = arith.cmpi slt, %arg1, %lt3A : i32
    %sub3A = arith.constant 16 : i32
    %sub3A_1 = arith.subi %arg1, %sub3A : i32
    %jit3A = arith.constant 0 : i32
    %select_n3A = arith.select %lt3A_0, %jit3A, %sub3A_1 : i32
    %c0_i32 = arith.constant 0 : i32
    %c0_i32_2 = arith.constant 0 : i32
    return %arg0, %select_n3A, %c0_i32 : i32, i32, i32
  }
}

</mosaic_0001>

<sc_bundles>
// kernel: kernel.10.cloned.1.call-start
scs
__scs_entry_jumppad:
0x0: {  	(pc) =	sbr.rel $0x88, $3  }
0x1: {  	(tag) =	ssettag $0x0;
	lr =	simm.s32 $0x1  }
0x2: {  	[smem:$0x3F9C] =	sst lr;
	_ =	strace $0xD0000000  }
0x3: {  	_ = 	snop  }
0x4: {  	_ = 	snop  }
0x5: {  	_ = 	snop  }
0x6: {  	_ = 	snop  }
0x7: {  	_ = 	snop  }
__scs_overlays_trampoline_lowered:
0x8: {  	[smem:$0x3FAB] =	sst s0  }
0x9: {  	[smem:$0x3FAC] =	sst s1  }
0xa: {  	[smem:$0x3FAD] =	sst s2  }
0xb: {  	[smem:$0x3FAE] =	sst s3  }
0xc: {  	[smem:$0x3FAF] =	sst s4  }
0xd: {  	[smem:$0x3FB0] =	sst s5  }
0xe: {  	[smem:$0x3FB1] =	sst s6  }
0xf: {  	[smem:$0x3FB2] =	sst s7  }
0x10: {  	[smem:$0x3FB3] =	sst s8  }
0x11: {  	[smem:$0x3FB4] =	sst s9;
	s0 =	simm.s32 @!p0 $0x0  }
0x12: {  	s1 =	sld [smem:$0x3F9A];
	s0 =	simm.s32 @p0 $0x1  }
0x13: {  	[smem:$0x3FB5] =	sst s0;
	s0 =	simm.s32 @!p1 $0x0  }
0x14: {  	s2 =	sld [smem:$0x3F99];
	s0 =	simm.s32 @p1 $0x1  }
0x15: {  	[smem:$0x3FB6] =	sst s0;
	s0 =	simm.s32 @!p2 $0x0  }
0x16: {  	s3 =	sld [smem:$0x3FDB];
	s0 =	simm.s32 @p2 $0x1  }
0x17: {  	s4 =	simm.s32 $0x1BF5;
	[smem:$0x3FB8] =	sst s0  }
0x18: {  	s0 =	sld [smem:$0x3F9B];
	_ =	swait.ge [sflag:s4], $0x0  }
0x19: {  	s7 =	sld [smem:$0x3F9C]  }
0x1a: {  	s8 =	sadd.s32 $0xFFFFE003, lr  }
0x1b: {  	s9 =	sadd.s32 $0xFFFFFEF7, lr;
	s5 =	simm.s32 $0xFFFFFFFF;
	p2 =	slt.u32 s8, $0xFFFFF086  }
0x1c: {  	p1 =	slt.u32 s9, $0xF7A;
	s5 =	simm.s32 @!p2 $0x0  }
0x1d: {  	s5 =	simm.s32 @p1 $0x1;
	p0 =	seq.s32 s7, s2  }
0x1e: {  	s7 =	smul.u32 @!p0 $0xF7A, s2;
	p2 =	seq.s32 @!p0 s5, $0x0  }
0x1f: {  	s9 =	smul.u32 $0xF7A, s1;
	s8 =	simm.s32 @!p0 $0x1BF5;
	p2 =	por !p2, p0  }
0x20: {  	[sflag:s8] =	ssyncset.s32 @!p0 $0xFFFFF086;
	s6 =	sadd.s32 @!p0 s3, s7;
	s7 =	simm.s32 @!p0 $0x108  }
0x21: {  	s3 =	sadd.s32 s3, s9;
	s6 =	sadd.s32 @!p0 $0x88, s6;
	s7 =	simm.s32 @p2 $0x1082  }
0x22: {  	[simem:s7], [sflag:s8] =	dma.local @!p0 [hbm:s6], $0xF7A  }
0x23: {  	s9 =	sor.u32 $0xD0000000, s2;
	s6 =	simm.s32 $0x108;
	_ =	swait.ge @!p0 [sflag:s8], $0x0  }
0x24: {  	s3 =	sadd.s32 $0x88, s3;
	s6 =	simm.s32 @!p1 $0x1082;
	[sflag:s4] =	ssyncset.s32 $0xFFFFF086  }
0x25: {  	[simem:s6], [sflag:s4] =	dma.local [hbm:s3], $0xF7A  }
0x26: {  	[smem:$0x3F9C] =	sst s1;
	(tag) =	ssettag s2;
	_ =	strace s9  }
0x27: {  	s1 =	sld [smem:$0x3FAC]  }
0x28: {  	s2 =	sld [smem:$0x3FAD]  }
0x29: {  	s4 =	sld [smem:$0x3FAF]  }
0x2a: {  	p0 =	seq.s32 s5, $0x0;
	s5 =	sld [smem:$0x3FB0]  }
0x2b: {  	s6 =	sld [smem:$0x3FB1]  }
0x2c: {  	s7 =	sld [smem:$0x3FB2]  }
0x2d: {  	s3 =	simm.s32 $0x108;
	s8 =	sld [smem:$0x3FB3]  }
0x2e: {  	s3 =	simm.s32 @!p0 $0x1082;
	s9 =	sld [smem:$0x3FB4]  }
0x2f: {  	lr =	sadd.s32 s0, s3;
	s0 =	sld [smem:$0x3FAB]  }
0x30: {  	s3 =	sld [smem:$0x3FAE]  }
0x31: {  	[smem:$0x3FB7] =	sst s10  }
0x32: {  	s10 =	sld [smem:$0x3FB5];
	_ =	sdelay $0x3  }
0x33: {  	p0 =	seq.s32 s10, $0x1;
	s10 =	sld [smem:$0x3FB7];
	_ =	sdelay $0x3  }
0x34: {  	[smem:$0x3FB7] =	sst s10  }
0x35: {  	s10 =	sld [smem:$0x3FB6];
	_ =	sdelay $0x3  }
0x36: {  	p1 =	seq.s32 s10, $0x1;
	s10 =	sld [smem:$0x3FB7];
	_ =	sdelay $0x3  }
0x37: {  	[smem:$0x3FB7] =	sst s10  }
0x38: {  	s10 =	sld [smem:$0x3FB8]  }
0x39: {  	_ = 	snop;
	(pc) =	sbr.ind lr, $3  }
0x3a: {  	_ = 	snop  }
0x3b: {  	_ = 	snop  }
0x3c: {  	p2 =	seq.s32 s10, $0x1;
	s10 =	sld [smem:$0x3FB7]  }
0x3d: {  	_ =	shalt  }
0x3e: {  	_ =	shalt  }
0x3f: {  	_ =	shalt  }
0x40: {  	_ =	shalt  }
0x41: {  	_ =	shalt  }
0x42: {  	_ =	shalt  }
0x43: {  	_ =	shalt  }
0x44: {  	_ =	shalt  }
0x45: {  	_ =	shalt  }
0x46: {  	_ =	shalt  }
0x47: {  	_ =	shalt  }
0x48: {  	_ =	shalt  }
0x49: {  	_ =	shalt  }
0x4a: {  	_ =	shalt  }
0x4b: {  	_ =	shalt  }
0x4c: {  	_ =	shalt  }
0x4d: {  	_ =	shalt  }
0x4e: {  	_ =	shalt  }
0x4f: {  	_ =	shalt  }
0x50: {  	_ =	shalt  }
0x51: {  	_ =	shalt  }
0x52: {  	_ =	shalt  }
0x53: {  	_ =	shalt  }
0x54: {  	_ =	shalt  }
0x55: {  	_ =	shalt  }
0x56: {  	_ =	shalt  }
0x57: {  	_ =	shalt  }
0x58: {  	_ =	shalt  }
0x59: {  	_ =	shalt  }
0x5a: {  	_ =	shalt  }
0x5b: {  	_ =	shalt  }
0x5c: {  	_ =	shalt  }
0x5d: {  	_ =	shalt  }
0x5e: {  	_ =	shalt  }
0x5f: {  	_ =	shalt  }
0x60: {  	_ =	shalt  }
0x61: {  	_ =	shalt  }
0x62: {  	_ =	shalt  }
0x63: {  	_ =	shalt  }
0x64: {  	_ =	shalt  }
0x65: {  	_ =	shalt  }
0x66: {  	_ =	shalt  }
0x67: {  	_ =	shalt  }
0x68: {  	_ =	shalt  }
0x69: {  	_ =	shalt  }
0x6a: {  	_ =	shalt  }
0x6b: {  	_ =	shalt  }
0x6c: {  	_ =	shalt  }
0x6d: {  	_ =	shalt  }
0x6e: {  	_ =	shalt  }
0x6f: {  	_ =	shalt  }
0x70: {  	_ =	shalt  }
0x71: {  	_ =	shalt  }
0x72: {  	_ =	shalt  }
0x73: {  	_ =	shalt  }
0x74: {  	_ =	shalt  }
0x75: {  	_ =	shalt  }
0x76: {  	_ =	shalt  }
0x77: {  	_ =	shalt  }
0x78: {  	_ =	shalt  }
0x79: {  	_ =	shalt  }
0x7a: {  	_ =	shalt  }
0x7b: {  	_ =	shalt  }
0x7c: {  	_ =	shalt  }
0x7d: {  	_ =	shalt  }
0x7e: {  	_ =	shalt  }
0x7f: {  	_ =	shalt  }
0x80: {  	_ =	shalt  }
0x81: {  	_ =	shalt  }
0x82: {  	_ =	shalt  }
0x83: {  	_ =	shalt  }
0x84: {  	_ =	shalt  }
0x85: {  	_ =	shalt  }
0x86: {  	_ =	shalt  }
0x87: {  	_ =	shalt  }
.Lfunc_end0:
.L_simem_size_0:
called_computation.1_lowered:
.L_overlay_start_0:
0x88: {  	s2 =	sld [smem:$0x3FD9]  }
0x89: {  	s3 =	sld [smem:$0x3FFE];
	_ =	sdelay $0x1  }
0x8a: {  	s1 =	srdreg.scid  }
0x8b: {  	s0 =	sand.u32 $0x1, s1  }
0x8c: {  	s16 =	sshll.u32 s0, $0xA;
	s2 =	sadd.s32 s3, s2  }
0x8d: {  	s2 =	sadd.s32 s2, s16  }
0x8e: {  	[smem:$0x3FC3] =	sst s2  }
0x8f: {  	_ = 	snop  }
0x90: {  	(tm) =	ssettm $0x1  }
0x91: {  	s17 =	sld [smem:$0x3FFB];
	_ =	sdelay $0x3  }
0x92: {  	_ =	strace s17  }
0x93: {  	s2 =	sld [smem:$0x3FFC];
	_ =	sdelay $0x3  }
0x94: {  	_ =	strace s2  }
0x95: {  	s2 =	sld [smem:$0x3FFD];
	_ =	sdelay $0x3  }
0x96: {  	_ =	strace s2  }
0x97: {  	_ =	strace $0x8FFFFFFF  }
0x98: {  	s18 =	sld [smem:$0x3FDB];
	_ =	sdelay $0x1  }
0x99: {  	s19 =	simm.s32 $_scs_section_size  }
0x9a: {  	s4 =	simm.s32 $_size__tile_overlayer_lowered;
	s5 =	simm.s32 $_tile_overlayer_lowered  }
0x9b: {  	s22 =	simm.s32 $0x1BFF;
	s21 =	sshll.u32 s5, $0x1;
	s2 =	sadd.s32 s19, s18  }
0x9c: {  	s6 =	simm.s32 $0x0;
	s20 =	sshll.u32 s4, $0x1;
	s4 =	sadd.s32 s21, s2  }
0x9d: {  	[timem:s6], [sflag:s22] =	dma.local [hbm:s4], s20  }
0x9e: {  	_ =	swait.ge [sflag:s22], s20  }
0x9f: {  	s3 =	ssub.s32 $0x0, s20;
	[sflag:s22] =	ssyncset.done $0x0  }
0xa0: {  	[sflag:s22] =	ssyncadd.s32 s3;
	_ =	sdelay $0x1  }
0xa1: {  	s23 =	simm.s32 $0x1B8B  }
0xa2: {  	_ =	swait.ge [sflag:s23], $0x1  }
0xa3: {  	[sflag:s23] =	ssyncset.done $0x0  }
0xa4: {  	s25 =	simm.s32 $0x1B8E;
	s24 =	sld [smem:$0x3FFE];
	[sflag:s23] =	ssyncadd.s32 $0xFFFFFFFF  }
0xa5: {  	s26 =	simm.s32 $execute0_lowered;
	[smem:$0x3FD2] =	sst s25  }
0xa6: {  	s4 =	sshll.u32 s26, $0x1;
	_ =	strace $0x80000049;
	[dreg:$0x1] =	wrdreg $0xFFFFFFFF  }
0xa7: {  	s28 =	simm.s32 $_size_execute0_lowered;
	s2 =	sadd.s32 s2, s4;
	[dreg:$0x0] =	wrdreg $0x0  }
0xa8: {  	s4 =	sshll.u32 s28, $0x1;
	[dreg:$0x2] =	wrdreg s2  }
0xa9: {  	[dreg:$0x3] =	wrdreg s4  }
0xaa: {  	[dreg:$0x4] =	wrdreg $0xC0  }
0xab: {  	_ =	task [dreg:s6], $0x5FFFF  }
0xac: {  	[dreg:$0x1] =	wrdreg $0xFFFFFFFF  }
0xad: {  	[dreg:$0x0] =	wrdreg $0x60  }
0xae: {  	[dreg:$0x2] =	wrdreg s24  }
0xaf: {  	[dreg:$0x3] =	wrdreg $0x9  }
0xb0: {  	_ =	task.clear_ibuf [dreg:s6], $0x4FFFF;
	_ =	strace $0x90000049  }
0xb1: {  	s29 =	simm.s32 $0x9;
	_ =	strace $0x8000004B  }
0xb2: {  	_ =	swait.ge [sflag:s29], $0x1  }
0xb3: {  	[sflag:s29] =	ssyncadd.s32 $0xFFFFFFFF  }
0xb4: {  	_ =	strace $0x9000004B  }
0xb5: {  	_ =	sfence  }
0xb6: {  	s30 =	sld [smem:$0x0];
	_ =	sdelay $0x2  }
0xb7: {  	s31 =	sshll.u32 s1, $0xD;
	s1 =	sshrl.u32 s1, $0x2  }
0xb8: {  	s3 =	sand.u32 $0x4000, s31;
	s1 =	sadd.s32 s1, s30  }
0xb9: {  	s0 =	sor.u32 s3, s0;
	s1 =	sshll.u32 s1, $0x11  }
0xba: {  	s0 =	sor.u32 s1, s0  }
0xbb: {  	s0 =	sadd.s32 $0x8F2B, s0  }
0xbc: {  	[sflag:s0] =	ssyncadd.remote.s32 $0x1  }
0xbd: {  	_ =	sfence.sel $0xFFFF  }
0xbe: {  	[dreg:$0x0] =	wrdreg $0xFFFFFFFF;
	(pc) =	sbr.abs _section_cstart, $3  }
0xbf: {  	[dreg:$0x1] =	wrdreg $0xFFFFFFFF  }
0xc0: {  	_ =	task.clear_ibuf [dreg:s6], $0x2FFFF;
	_ =	strace $0x9FFFFFFF  }
0xc1: {  	(tm) =	ssettm $0x7FFFFFFF  }
tec
execute0_lowered:
.L_overlay_start_1:
0x0: {  	(tag) =	ssettag $0x1  }
0x1: {  	s0 =	srdreg.scid  }
0x2: {  	s5 =	stileid.u32;
	s4 =	rddreg [dreg:$0x0]  }
0x3: {  	s2 =	simm.s32 $0x0;
	s12 =	simm.s32 $0x1200;
	s14 =	simm.s32 $0x1A00  }
0x4: {  	s15 =	simm.s32 $0x2200;
	s17 =	simm.s32 $0x2A00;
	[smem:$0x7FF] =	sst s2  }
0x5: {  	s18 =	simm.s32 $0x3200;
	_ =	strace $0x8000004A;
	[dreg:$0x3] =	wrdreg s12  }
0x6: {  	s19 =	simm.s32 $0x3A00;
	s20 =	simm.s32 $0x4200;
	[dreg:$0x4] =	wrdreg s14  }
0x7: {  	s21 =	simm.s32 $0x4A00;
	s23 =	simm.s32 $0x5200;
	[dreg:$0x5] =	wrdreg s15  }
0x8: {  	s24 =	simm.s32 $0x5A00;
	s25 =	simm.s32 $0x6200;
	[dreg:$0x6] =	wrdreg s17  }
0x9: {  	s26 =	simm.s32 $0x6A00;
	s7 =	simm.s32 $0xA00;
	[dreg:$0x7] =	wrdreg s18  }
0xa: {  	s8 =	simm.s32 $0x7200;
	s9 =	simm.s32 $0x7A00;
	[dreg:$0x8] =	wrdreg s19  }
0xb: {  	s10 =	simm.s32 $0x8200;
	s11 =	simm.s32 $0x8A00;
	[dreg:$0x9] =	wrdreg s20  }
0xc: {  	s28 =	simm.s32 $0x1;
	s29 =	simm.s32 $0x2;
	[dreg:$0xa] =	wrdreg s21  }
0xd: {  	s30 =	simm.s32 $0x3;
	s31 =	simm.s32 $0x4;
	[dreg:$0xb] =	wrdreg s23  }
0xe: {  	s0 =	sand.u32 $0x1, s0;
	s1 =	smul.u32 $0x28000, s5;
	[dreg:$0xc] =	wrdreg s24  }
0xf: {  	s13 =	sshll.u32 s5, $0x1;
	s3 =	smul.u32 $0x14000, s0;
	[dreg:$0xd] =	wrdreg s25  }
0x10: {  	[dreg:$0xe] =	wrdreg s26;
	s12 =	simm.s32 $0x9200;
	s14 =	simm.s32 $0xA200  }
0x11: {  	s15 =	simm.s32 $0xAA00;
	s17 =	simm.s32 $0xBA00;
	s18 =	simm.s32 $0xC200  }
0x12: {  	s19 =	simm.s32 $0xCA00;
	s20 =	simm.s32 $0xD200;
	s21 =	simm.s32 $0xDA00  }
0x13: {  	s23 =	simm.s32 $0xEA00;
	s24 =	simm.s32 $0xF200;
	s1 =	sadd.s32 s1, s4  }
0x14: {  	s25 =	simm.s32 $0xFA00;
	s1 =	sadd.s32 s3, s1;
	s3 =	sor.u32 s0, s13  }
0x15: {  	s26 =	simm.s32 $0x10200;
	s0 =	ssub.s32 $0x2, s0;
	s16 =	smul.u32 $0xA00, s3  }
0x16: {  	s13 =	simm.s32 $0x9A00;
	s1 =	sadd.s32 $0x1C4600, s1;
	s22 =	sshrl.u32 s0, $0x1  }
0x17: {  	s3 =	sadd.s32 $0x184600, s4;
	s0 =	ssub.s32 s0, s22;
	s5 =	sshrl.u32 s16, $0x3  }
0x18: {  	v2 =	vlaneseq.u32;
	[dreg:$0x2] =	wrdreg s1;
	s0 =	smax.u32 s0, $0x1;
	s4 =	sadd.s32 s5, s4  }
0x19: {  	vm0 =	vmmov $0xffff;
	v1 =	vshrl.u32 v2, $0x3;
	s22 =	simm.s32 $0xE200;
	[dreg:$0x10] =	wrdreg s0;
	s4 =	sadd.s32 $0x41E00, s4  }
0x1a: {  	v0 =	vand.u32 $0x7, v2;
	v2 =	vor.u32 $0x8, v2;
	v1 =	vmul.u32 $0x8, v1;
	s1 =	simm.s32 $0x0;
	s16 =	simm.s32 $0xB200;
	[dreg:$0xf] =	wrdreg s4  }
.LBB2_1:
0x1b: {  	s0 =	rddreg [dreg:$0xf];
	s6 =	simm.s32 $0x5  }
0x1c: {  	[tilespmem:s2], [sflag:$0x5] =	stream.linear.gather [hbm4b:s0+s2], $0xA00, $0x38;
	[tilespmem:$0x10A00] =	vst v63  }
0x1d: {  	_ =	swait.ge [sflag:s6], $0xA00  }
0x1e: {  	[sflag:s6] =	ssyncset.done $0x0  }
0x1f: {  	s4 =	simm.s32 $0x0;
	s0 =	simm.s32 $0x80;
	[sflag:s6] =	ssyncadd.s32 $0xFFFFF600  }
.LBB2_2:
0x20: {  	p0 =	seq.s32 s4, $0x0  }
0x21: {  	s5 =	simm.s32 @!p0 $0x3  }
0x22: {  	_ =	swait.ge @!p0 [sflag:s5], $0x8000  }
0x23: {  	[sflag:s5] =	ssyncset.done @!p0 $0x0  }
0x24: {  	[sflag:s5] =	ssyncadd.s32 @!p0 $0xFFFF8000  }
0x25: {  	v3 =	vld [tilespmem:s0+$0xFFFFFF80];
	_ =	sdelay $0x4  }
0x26: {  	v4 =	vshll.u32 v3, $0x1  }
0x27: {  	v3 =	vand.u32 $0x7, v3;
	v4 =	vand.u32 $0xFFFFFFF0, v4  }
0x28: {  	v3 =	vor.u32 v3, v4  }
0x29: {  	v4 =	vperm.xlane v3, v0;
	_ =	sdelay $0x1  }
0x2a: {  	v3 =	vperm.xlane v3, v2;
	v4 =	vadd.s32 v1, v4;
	_ =	sdelay $0x1  }
0x2b: {  	v3 =	vadd.s32 v1, v3;
	_ =	sdelay $0x2  }
0x2c: {  	[tilespmem:s7], [sflag:$0x1] =	stream.indirect_vreg.gather [hbm4b:s3+s2], $0x80, v4, vm0, $0xb8;
	[tilespmem:$0x10A00] =	vst v63  }
0x2d: {  	s6 =	rddreg [dreg:$0x3]  }
0x2e: {  	[tilespmem:s6], [sflag:$0x1] =	stream.indirect_vreg.gather [hbm4b:s3+s2], $0x80, v3, vm0, $0xb8;
	[tilespmem:$0x10A00] =	vst v63  }
0x2f: {  	v3 =	vld [tilespmem:s0+$0xFFFFFF90];
	_ =	sdelay $0x4  }
0x30: {  	v49 =	vshll.u32 v3, $0x1  }
0x31: {  	v3 =	vand.u32 $0x7, v3;
	v4 =	vand.u32 $0xFFFFFFF0, v49  }
0x32: {  	v3 =	vor.u32 v3, v4  }
0x33: {  	v4 =	vperm.xlane v3, v0;
	_ =	sdelay $0x1  }
0x34: {  	v3 =	vperm.xlane v3, v2;
	v4 =	vadd.s32 v1, v4;
	_ =	sdelay $0x1  }
0x35: {  	v3 =	vadd.s32 v1, v3;
	_ =	sdelay $0x1  }
0x36: {  	s5 =	rddreg [dreg:$0x4]  }
0x37: {  	[tilespmem:s5], [sflag:$0x1] =	stream.indirect_vreg.gather [hbm4b:s3+s2], $0x80, v4, vm0, $0xb8;
	[tilespmem:$0x10A00] =	vst v63  }
0x38: {  	s6 =	rddreg [dreg:$0x5]  }
0x39: {  	[tilespmem:s6], [sflag:$0x1] =	stream.indirect_vreg.gather [hbm4b:s3+s2], $0x80, v3, vm0, $0xb8;
	[tilespmem:$0x10A00] =	vst v63  }
0x3a: {  	v3 =	vld [tilespmem:s0+$0xFFFFFFA0];
	_ =	sdelay $0x4  }
0x3b: {  	v50 =	vshll.u32 v3, $0x1  }
0x3c: {  	v3 =	vand.u32 $0x7, v3;
	v4 =	vand.u32 $0xFFFFFFF0, v50  }
0x3d: {  	v3 =	vor.u32 v3, v4  }
0x3e: {  	v4 =	vperm.xlane v3, v0;
	_ =	sdelay $0x1  }
0x3f: {  	v3 =	vperm.xlane v3, v2;
	v4 =	vadd.s32 v1, v4;
	_ =	sdelay $0x1  }
0x40: {  	v3 =	vadd.s32 v1, v3;
	_ =	sdelay $0x1  }
0x41: {  	s5 =	rddreg [dreg:$0x6]  }
0x42: {  	[tilespmem:s5], [sflag:$0x1] =	stream.indirect_vreg.gather [hbm4b:s3+s2], $0x80, v4, vm0, $0xb8;
	[tilespmem:$0x10A00] =	vst v63  }
0x43: {  	s6 =	rddreg [dreg:$0x7]  }
0x44: {  	[tilespmem:s6], [sflag:$0x1] =	stream.indirect_vreg.gather [hbm4b:s3+s2], $0x80, v3, vm0, $0xb8;
	[tilespmem:$0x10A00] =	vst v63  }
0x45: {  	v3 =	vld [tilespmem:s0+$0xFFFFFFB0];
	_ =	sdelay $0x4  }
0x46: {  	v51 =	vshll.u32 v3, $0x1  }
0x47: {  	v3 =	vand.u32 $0x7, v3;
	v4 =	vand.u32 $0xFFFFFFF0, v51  }
0x48: {  	v3 =	vor.u32 v3, v4  }
0x49: {  	v4 =	vperm.xlane v3, v0;
	_ =	sdelay $0x1  }
0x4a: {  	v3 =	vperm.xlane v3, v2;
	v4 =	vadd.s32 v1, v4;
	_ =	sdelay $0x1  }
0x4b: {  	v3 =	vadd.s32 v1, v3;
	_ =	sdelay $0x1  }
0x4c: {  	s5 =	rddreg [dreg:$0x8]  }
0x4d: {  	[tilespmem:s5], [sflag:$0x1] =	stream.indirect_vreg.gather [hbm4b:s3+s2], $0x80, v4, vm0, $0xb8;
	[tilespmem:$0x10A00] =	vst v63  }
0x4e: {  	s6 =	rddreg [dreg:$0x9]  }
0x4f: {  	[tilespmem:s6], [sflag:$0x1] =	stream.indirect_vreg.gather [hbm4b:s3+s2], $0x80, v3, vm0, $0xb8;
	[tilespmem:$0x10A00] =	vst v63  }
0x50: {  	v3 =	vld [tilespmem:s0+$0xFFFFFFC0];
	_ =	sdelay $0x4  }
0x51: {  	v52 =	vshll.u32 v3, $0x1  }
0x52: {  	v3 =	vand.u32 $0x7, v3;
	v4 =	vand.u32 $0xFFFFFFF0, v52  }
0x53: {  	v3 =	vor.u32 v3, v4  }
0x54: {  	v4 =	vperm.xlane v3, v0;
	_ =	sdelay $0x1  }
0x55: {  	v3 =	vperm.xlane v3, v2;
	v4 =	vadd.s32 v1, v4;
	_ =	sdelay $0x1  }
0x56: {  	v3 =	vadd.s32 v1, v3;
	_ =	sdelay $0x1  }
0x57: {  	s5 =	rddreg [dreg:$0xa]  }
0x58: {  	[tilespmem:s5], [sflag:$0x1] =	stream.indirect_vreg.gather [hbm4b:s3+s2], $0x80, v4, vm0, $0xb8;
	[tilespmem:$0x10A00] =	vst v63  }
0x59: {  	s6 =	rddreg [dreg:$0xb]  }
0x5a: {  	[tilespmem:s6], [sflag:$0x1] =	stream.indirect_vreg.gather [hbm4b:s3+s2], $0x80, v3, vm0, $0xb8;
	[tilespmem:$0x10A00] =	vst v63  }
0x5b: {  	v3 =	vld [tilespmem:s0+$0xFFFFFFD0];
	_ =	sdelay $0x4  }
0x5c: {  	v53 =	vshll.u32 v3, $0x1  }
0x5d: {  	v3 =	vand.u32 $0x7, v3;
	v4 =	vand.u32 $0xFFFFFFF0, v53  }
0x5e: {  	v3 =	vor.u32 v3, v4  }
0x5f: {  	v4 =	vperm.xlane v3, v0;
	_ =	sdelay $0x1  }
0x60: {  	v3 =	vperm.xlane v3, v2;
	v4 =	vadd.s32 v1, v4;
	_ =	sdelay $0x1  }
0x61: {  	v3 =	vadd.s32 v1, v3;
	_ =	sdelay $0x1  }
0x62: {  	s5 =	rddreg [dreg:$0xc]  }
0x63: {  	[tilespmem:s5], [sflag:$0x1] =	stream.indirect_vreg.gather [hbm4b:s3+s2], $0x80, v4, vm0, $0xb8;
	[tilespmem:$0x10A00] =	vst v63  }
0x64: {  	s6 =	rddreg [dreg:$0xd]  }
0x65: {  	[tilespmem:s6], [sflag:$0x1] =	stream.indirect_vreg.gather [hbm4b:s3+s2], $0x80, v3, vm0, $0xb8;
	[tilespmem:$0x10A00] =	vst v63  }
0x66: {  	v3 =	vld [tilespmem:s0+$0xFFFFFFE0];
	_ =	sdelay $0x4  }
0x67: {  	v54 =	vshll.u32 v3, $0x1  }
0x68: {  	v3 =	vand.u32 $0x7, v3;
	v4 =	vand.u32 $0xFFFFFFF0, v54  }
0x69: {  	v3 =	vor.u32 v3, v4  }
0x6a: {  	v4 =	vperm.xlane v3, v0;
	_ =	sdelay $0x1  }
0x6b: {  	v3 =	vperm.xlane v3, v2;
	v4 =	vadd.s32 v1, v4;
	_ =	sdelay $0x1  }
0x6c: {  	v3 =	vadd.s32 v1, v3;
	_ =	sdelay $0x1  }
0x6d: {  	s6 =	rddreg [dreg:$0xe]  }
0x6e: {  	[tilespmem:s6], [sflag:$0x1] =	stream.indirect_vreg.gather [hbm4b:s3+s2], $0x80, v4, vm0, $0xb8;
	[tilespmem:$0x10A00] =	vst v63  }
0x6f: {  	_ = 	snop  }
0x70: {  	[tilespmem:s8], [sflag:$0x1] =	stream.indirect_vreg.gather [hbm4b:s3+s2], $0x80, v3, vm0, $0xb8;
	[tilespmem:$0x10A00] =	vst v63  }
0x71: {  	v3 =	vld [tilespmem:s0+$0xFFFFFFF0];
	_ =	sdelay $0x4  }
0x72: {  	v55 =	vshll.u32 v3, $0x1  }
0x73: {  	v3 =	vand.u32 $0x7, v3;
	v4 =	vand.u32 $0xFFFFFFF0, v55  }
0x74: {  	v3 =	vor.u32 v3, v4  }
0x75: {  	v4 =	vperm.xlane v3, v0;
	_ =	sdelay $0x1  }
0x76: {  	v3 =	vperm.xlane v3, v2;
	v4 =	vadd.s32 v1, v4;
	_ =	sdelay $0x1  }
0x77: {  	v3 =	vadd.s32 v1, v3;
	_ =	sdelay $0x2  }
0x78: {  	[tilespmem:s9], [sflag:$0x1] =	stream.indirect_vreg.gather [hbm4b:s3+s2], $0x80, v4, vm0, $0xb8;
	[tilespmem:$0x10A00] =	vst v63  }
0x79: {  	s5 =	simm.s32 @!p0 $0x4  }
0x7a: {  	[tilespmem:s10], [sflag:$0x1] =	stream.indirect_vreg.gather [hbm4b:s3+s2], $0x80, v3, vm0, $0xb8;
	[tilespmem:$0x10A00] =	vst v63  }
0x7b: {  	_ =	swait.ge @!p0 [sflag:s5], $0x8000  }
0x7c: {  	[sflag:s5] =	ssyncset.done @!p0 $0x0  }
0x7d: {  	[sflag:s5] =	ssyncadd.s32 @!p0 $0xFFFF8000  }
0x7e: {  	v3 =	vld [tilespmem:s0+$0x0];
	_ =	sdelay $0x4  }
0x7f: {  	v56 =	vshll.u32 v3, $0x1  }
0x80: {  	v3 =	vand.u32 $0x7, v3;
	v4 =	vand.u32 $0xFFFFFFF0, v56  }
0x81: {  	v3 =	vor.u32 v3, v4  }
0x82: {  	v4 =	vperm.xlane v3, v0;
	_ =	sdelay $0x1  }
0x83: {  	v3 =	vperm.xlane v3, v2;
	v4 =	vadd.s32 v1, v4;
	_ =	sdelay $0x1  }
0x84: {  	v3 =	vadd.s32 v1, v3;
	_ =	sdelay $0x2  }
0x85: {  	[tilespmem:s11], [sflag:$0x2] =	stream.indirect_vreg.gather [hbm4b:s3+s2], $0x80, v4, vm0, $0xb8;
	[tilespmem:$0x10A00] =	vst v63  }
0x86: {  	_ = 	snop  }
0x87: {  	[tilespmem:s12], [sflag:$0x2] =	stream.indirect_vreg.gather [hbm4b:s3+s2], $0x80, v3, vm0, $0xb8;
	[tilespmem:$0x10A00] =	vst v63  }
0x88: {  	v3 =	vld [tilespmem:s0+$0x10];
	_ =	sdelay $0x4  }
0x89: {  	v57 =	vshll.u32 v3, $0x1  }
0x8a: {  	v3 =	vand.u32 $0x7, v3;
	v4 =	vand.u32 $0xFFFFFFF0, v57  }
0x8b: {  	v3 =	vor.u32 v3, v4  }
0x8c: {  	v4 =	vperm.xlane v3, v0;
	_ =	sdelay $0x1  }
0x8d: {  	v3 =	vperm.xlane v3, v2;
	v4 =	vadd.s32 v1, v4;
	_ =	sdelay $0x1  }
0x8e: {  	v3 =	vadd.s32 v1, v3;
	_ =	sdelay $0x2  }
0x8f: {  	[tilespmem:s13], [sflag:$0x2] =	stream.indirect_vreg.gather [hbm4b:s3+s2], $0x80, v4, vm0, $0xb8;
	[tilespmem:$0x10A00] =	vst v63  }
0x90: {  	_ = 	snop  }
0x91: {  	[tilespmem:s14], [sflag:$0x2] =	stream.indirect_vreg.gather [hbm4b:s3+s2], $0x80, v3, vm0, $0xb8;
	[tilespmem:$0x10A00] =	vst v63  }
0x92: {  	v3 =	vld [tilespmem:s0+$0x20];
	_ =	sdelay $0x4  }
0x93: {  	v58 =	vshll.u32 v3, $0x1  }
0x94: {  	v3 =	vand.u32 $0x7, v3;
	v4 =	vand.u32 $0xFFFFFFF0, v58  }
0x95: {  	v3 =	vor.u32 v3, v4  }
0x96: {  	v4 =	vperm.xlane v3, v0;
	_ =	sdelay $0x1  }
0x97: {  	v3 =	vperm.xlane v3, v2;
	v4 =	vadd.s32 v1, v4;
	_ =	sdelay $0x1  }
0x98: {  	v3 =	vadd.s32 v1, v3;
	_ =	sdelay $0x2  }
0x99: {  	[tilespmem:s15], [sflag:$0x2] =	stream.indirect_vreg.gather [hbm4b:s3+s2], $0x80, v4, vm0, $0xb8;
	[tilespmem:$0x10A00] =	vst v63  }
0x9a: {  	_ = 	snop  }
0x9b: {  	[tilespmem:s16], [sflag:$0x2] =	stream.indirect_vreg.gather [hbm4b:s3+s2], $0x80, v3, vm0, $0xb8;
	[tilespmem:$0x10A00] =	vst v63  }
0x9c: {  	v3 =	vld [tilespmem:s0+$0x30];
	_ =	sdelay $0x4  }
0x9d: {  	v59 =	vshll.u32 v3, $0x1  }
0x9e: {  	v3 =	vand.u32 $0x7, v3;
	v4 =	vand.u32 $0xFFFFFFF0, v59  }
0x9f: {  	v3 =	vor.u32 v3, v4  }
0xa0: {  	v4 =	vperm.xlane v3, v0;
	_ =	sdelay $0x1  }
0xa1: {  	v3 =	vperm.xlane v3, v2;
	v4 =	vadd.s32 v1, v4;
	_ =	sdelay $0x1  }
0xa2: {  	v3 =	vadd.s32 v1, v3;
	_ =	sdelay $0x2  }
0xa3: {  	[tilespmem:s17], [sflag:$0x2] =	stream.indirect_vreg.gather [hbm4b:s3+s2], $0x80, v4, vm0, $0xb8;
	[tilespmem:$0x10A00] =	vst v63  }
0xa4: {  	_ = 	snop  }
0xa5: {  	[tilespmem:s18], [sflag:$0x2] =	stream.indirect_vreg.gather [hbm4b:s3+s2], $0x80, v3, vm0, $0xb8;
	[tilespmem:$0x10A00] =	vst v63  }
0xa6: {  	v3 =	vld [tilespmem:s0+$0x40];
	_ =	sdelay $0x4  }
0xa7: {  	v60 =	vshll.u32 v3, $0x1  }
0xa8: {  	v3 =	vand.u32 $0x7, v3;
	v4 =	vand.u32 $0xFFFFFFF0, v60  }
0xa9: {  	v3 =	vor.u32 v3, v4  }
0xaa: {  	v4 =	vperm.xlane v3, v0;
	_ =	sdelay $0x1  }
0xab: {  	v3 =	vperm.xlane v3, v2;
	v4 =	vadd.s32 v1, v4;
	_ =	sdelay $0x1  }
0xac: {  	v3 =	vadd.s32 v1, v3;
	_ =	sdelay $0x2  }
0xad: {  	[tilespmem:s19], [sflag:$0x2] =	stream.indirect_vreg.gather [hbm4b:s3+s2], $0x80, v4, vm0, $0xb8;
	[tilespmem:$0x10A00] =	vst v63  }
0xae: {  	_ = 	snop  }
0xaf: {  	[tilespmem:s20], [sflag:$0x2] =	stream.indirect_vreg.gather [hbm4b:s3+s2], $0x80, v3, vm0, $0xb8;
	[tilespmem:$0x10A00] =	vst v63  }
0xb0: {  	v3 =	vld [tilespmem:s0+$0x50];
	_ =	sdelay $0x4  }
0xb1: {  	v61 =	vshll.u32 v3, $0x1  }
0xb2: {  	v3 =	vand.u32 $0x7, v3;
	v4 =	vand.u32 $0xFFFFFFF0, v61  }
0xb3: {  	v3 =	vor.u32 v3, v4  }
0xb4: {  	v4 =	vperm.xlane v3, v0;
	_ =	sdelay $0x1  }
0xb5: {  	v3 =	vperm.xlane v3, v2;
	v4 =	vadd.s32 v1, v4;
	_ =	sdelay $0x1  }
0xb6: {  	v3 =	vadd.s32 v1, v3;
	_ =	sdelay $0x2  }
0xb7: {  	[tilespmem:s21], [sflag:$0x2] =	stream.indirect_vreg.gather [hbm4b:s3+s2], $0x80, v4, vm0, $0xb8;
	[tilespmem:$0x10A00] =	vst v63  }
0xb8: {  	_ = 	snop  }
0xb9: {  	[tilespmem:s22], [sflag:$0x2] =	stream.indirect_vreg.gather [hbm4b:s3+s2], $0x80, v3, vm0, $0xb8;
	[tilespmem:$0x10A00] =	vst v63  }
0xba: {  	v3 =	vld [tilespmem:s0+$0x60];
	_ =	sdelay $0x4  }
0xbb: {  	v62 =	vshll.u32 v3, $0x1  }
0xbc: {  	v3 =	vand.u32 $0x7, v3;
	v4 =	vand.u32 $0xFFFFFFF0, v62  }
0xbd: {  	v3 =	vor.u32 v3, v4  }
0xbe: {  	v4 =	vperm.xlane v3, v0;
	_ =	sdelay $0x1  }
0xbf: {  	v3 =	vperm.xlane v3, v2;
	v4 =	vadd.s32 v1, v4;
	_ =	sdelay $0x1  }
0xc0: {  	v3 =	vadd.s32 v1, v3;
	_ =	sdelay $0x2  }
0xc1: {  	[tilespmem:s23], [sflag:$0x2] =	stream.indirect_vreg.gather [hbm4b:s3+s2], $0x80, v4, vm0, $0xb8;
	[tilespmem:$0x10A00] =	vst v63  }
0xc2: {  	_ = 	snop  }
0xc3: {  	[tilespmem:s24], [sflag:$0x2] =	stream.indirect_vreg.gather [hbm4b:s3+s2], $0x80, v3, vm0, $0xb8;
	[tilespmem:$0x10A00] =	vst v63  }
0xc4: {  	v3 =	vld [tilespmem:s0+$0x70];
	_ =	sdelay $0x4  }
0xc5: {  	v63 =	vshll.u32 v3, $0x1  }
0xc6: {  	v3 =	vand.u32 $0x7, v3;
	v4 =	vand.u32 $0xFFFFFFF0, v63  }
0xc7: {  	v3 =	vor.u32 v3, v4  }
0xc8: {  	v4 =	vperm.xlane v3, v0;
	_ =	sdelay $0x1  }
0xc9: {  	v3 =	vperm.xlane v3, v2;
	v4 =	vadd.s32 v1, v4;
	_ =	sdelay $0x1  }
0xca: {  	v3 =	vadd.s32 v1, v3;
	_ =	sdelay $0x2  }
0xcb: {  	[tilespmem:s25], [sflag:$0x2] =	stream.indirect_vreg.gather [hbm4b:s3+s2], $0x80, v4, vm0, $0xb8;
	[tilespmem:$0x10A00] =	vst v63  }
0xcc: {  	_ = 	snop  }
0xcd: {  	[tilespmem:s26], [sflag:$0x2] =	stream.indirect_vreg.gather [hbm4b:s3+s2], $0x80, v3, vm0, $0xb8;
	[tilespmem:$0x10A00] =	vst v63  }
0xce: {  	_ =	swait.ge [sflag:s28], $0x8000  }
0xcf: {  	s6 =	rddreg [dreg:$0x2];
	[sflag:s28] =	ssyncset.done $0x0  }
0xd0: {  	[sflag:s28] =	ssyncadd.s32 $0xFFFF8000;
	s5 =	sadd.s32 s4, s6;
	s4 =	sadd.s32 $0x2000, s4  }
0xd1: {  	[hbm4b:s5+s2] =	stream.linear.scatter [tilespmem:s7], [sflag:$0x3], $0x8000, $0x38;
	[tilespmem:$0x10A00] =	vst v63  }
0xd2: {  	p0 =	sne.s32 s4, $0x14000  }
.Ltmp0:
0xd3: {  	_ = 	snop;
	(pc) =	sbr.rel @p0 .LBB2_2-.Ltmp0, $4  }
0xd4: {  	_ =	swait.ge [sflag:s29], $0x8000  }
0xd5: {  	[sflag:s29] =	ssyncset.done $0x0  }
0xd6: {  	s0 =	sadd.s32 $0x100, s0;
	s5 =	sadd.s32 $0x1000, s5;
	[sflag:s29] =	ssyncadd.s32 $0xFFFF8000  }
0xd7: {  	[hbm4b:s5+s2] =	stream.linear.scatter [tilespmem:s11], [sflag:$0x4], $0x8000, $0x38;
	[tilespmem:$0x10A00] =	vst v63  }
0xd8: {  	_ =	swait.ge [sflag:s30], $0x8000  }
0xd9: {  	[sflag:s30] =	ssyncset.done $0x0  }
0xda: {  	[sflag:s30] =	ssyncadd.s32 $0xFFFF8000  }
0xdb: {  	_ =	swait.ge [sflag:s31], $0x8000  }
0xdc: {  	s1 =	sadd.s32 $0x1, s1;
	s0 =	rddreg [dreg:$0x10]  }
0xdd: {  	p0 =	sne.s32 s1, s0  }
.Ltmp1:
0xde: {  	_ = 	snop;
	(pc) =	sbr.rel @p0 .LBB2_1-.Ltmp1, $3  }
0xdf: {  	_ =	sdelay $0x1  }
0xe0: {  	[sflag:s31] =	ssyncset.done $0x0  }
0xe1: {  	[sflag:s31] =	ssyncadd.s32 $0xFFFF8000  }
0xe2: {  	_ =	sfence.sel $0x180000  }
0xe3: {  	[bflag:$0x0] =	sbarrier.arrive $0xFFFF  }
0xe4: {  	_ =	strace $0x9000004A  }
0xe5: {  	s0 =	stileid.u32;
	[bflag:$0x2] =	sbarrier.arrive $0xFFFF  }
0xe6: {  	p0 =	sne.s32 s0, $0x0;
	s0 =	rddreg [dreg:$0x1]  }
0xe7: {  	s0 =	sadd.s32 @!p0 $0x100000, s0  }
0xe8: {  	[sflag:s0] =	ssyncadd.tile.s32 @!p0 $0x1;
	_ =	shalt  }
.Lfunc_end2:
_tile_overlayer_lowered:
.L_overlay_start_2:
0xe9: {  	(tag) =	ssettag $0x2  }
0xea: {  	s0 =	rddreg [dreg:$0x0];
	s2 =	stileid.u32  }
0xeb: {  	s1 =	rddreg [dreg:$0x1];
	p0 =	sne.s32 s2, $0x0  }
0xec: {  	s3 =	rddreg [dreg:$0x2];
	[bflag:$0x3] =	sbarrier.arrive $0xFFFF;
	s2 =	simm.s32 @!p0 $0x1C05  }
0xed: {  	[timem:s3], [sflag:s2] =	dma.local @!p0 [hbm:s0], s1  }
0xee: {  	s0 =	simm.s32 @!p0 $0x5  }
0xef: {  	_ =	swait.ge @!p0 [sflag:s0], s1  }
0xf0: {  	s1 =	ssub.s32 @!p0 $0x0, s1;
	[sflag:s0] =	ssyncset.done @!p0 $0x0  }
0xf1: {  	[sflag:s0] =	ssyncadd.s32 @!p0 s1  }
0xf2: {  	[bflag:$0x3] =	sbarrier.arrive $0xFFFF  }
0xf3: {  	_ =	shalt  }

// kernel: kernel.7.cloned.1.call-start
scs
__scs_entry_jumppad:
0x0: {  	(pc) =	sbr.rel $0x88, $3  }
0x1: {  	(tag) =	ssettag $0x0;
	lr =	simm.s32 $0x1  }
0x2: {  	[smem:$0x3F9C] =	sst lr;
	_ =	strace $0xD0000000  }
0x3: {  	_ = 	snop  }
0x4: {  	_ = 	snop  }
0x5: {  	_ = 	snop  }
0x6: {  	_ = 	snop  }
0x7: {  	_ = 	snop  }
__scs_overlays_trampoline_lowered:
0x8: {  	[smem:$0x3FAB] =	sst s0  }
0x9: {  	[smem:$0x3FAC] =	sst s1  }
0xa: {  	[smem:$0x3FAD] =	sst s2  }
0xb: {  	[smem:$0x3FAE] =	sst s3  }
0xc: {  	[smem:$0x3FAF] =	sst s4  }
0xd: {  	[smem:$0x3FB0] =	sst s5  }
0xe: {  	[smem:$0x3FB1] =	sst s6  }
0xf: {  	[smem:$0x3FB2] =	sst s7  }
0x10: {  	[smem:$0x3FB3] =	sst s8  }
0x11: {  	[smem:$0x3FB4] =	sst s9;
	s0 =	simm.s32 @!p0 $0x0  }
0x12: {  	s1 =	sld [smem:$0x3F9A];
	s0 =	simm.s32 @p0 $0x1  }
0x13: {  	[smem:$0x3FB5] =	sst s0;
	s0 =	simm.s32 @!p1 $0x0  }
0x14: {  	s2 =	sld [smem:$0x3F99];
	s0 =	simm.s32 @p1 $0x1  }
0x15: {  	[smem:$0x3FB6] =	sst s0;
	s0 =	simm.s32 @!p2 $0x0  }
0x16: {  	s3 =	sld [smem:$0x3FDB];
	s0 =	simm.s32 @p2 $0x1  }
0x17: {  	s4 =	simm.s32 $0x1BF5;
	[smem:$0x3FB8] =	sst s0  }
0x18: {  	s0 =	sld [smem:$0x3F9B];
	_ =	swait.ge [sflag:s4], $0x0  }
0x19: {  	s7 =	sld [smem:$0x3F9C]  }
0x1a: {  	s8 =	sadd.s32 $0xFFFFE003, lr  }
0x1b: {  	s9 =	sadd.s32 $0xFFFFFEF7, lr;
	s5 =	simm.s32 $0xFFFFFFFF;
	p2 =	slt.u32 s8, $0xFFFFF086  }
0x1c: {  	p1 =	slt.u32 s9, $0xF7A;
	s5 =	simm.s32 @!p2 $0x0  }
0x1d: {  	s5 =	simm.s32 @p1 $0x1;
	p0 =	seq.s32 s7, s2  }
0x1e: {  	s7 =	smul.u32 @!p0 $0xF7A, s2;
	p2 =	seq.s32 @!p0 s5, $0x0  }
0x1f: {  	s9 =	smul.u32 $0xF7A, s1;
	s8 =	simm.s32 @!p0 $0x1BF5;
	p2 =	por !p2, p0  }
0x20: {  	[sflag:s8] =	ssyncset.s32 @!p0 $0xFFFFF086;
	s6 =	sadd.s32 @!p0 s3, s7;
	s7 =	simm.s32 @!p0 $0x108  }
0x21: {  	s3 =	sadd.s32 s3, s9;
	s6 =	sadd.s32 @!p0 $0x88, s6;
	s7 =	simm.s32 @p2 $0x1082  }
0x22: {  	[simem:s7], [sflag:s8] =	dma.local @!p0 [hbm:s6], $0xF7A  }
0x23: {  	s9 =	sor.u32 $0xD0000000, s2;
	s6 =	simm.s32 $0x108;
	_ =	swait.ge @!p0 [sflag:s8], $0x0  }
0x24: {  	s3 =	sadd.s32 $0x88, s3;
	s6 =	simm.s32 @!p1 $0x1082;
	[sflag:s4] =	ssyncset.s32 $0xFFFFF086  }
0x25: {  	[simem:s6], [sflag:s4] =	dma.local [hbm:s3], $0xF7A  }
0x26: {  	[smem:$0x3F9C] =	sst s1;
	(tag) =	ssettag s2;
	_ =	strace s9  }
0x27: {  	s1 =	sld [smem:$0x3FAC]  }
0x28: {  	s2 =	sld [smem:$0x3FAD]  }
0x29: {  	s4 =	sld [smem:$0x3FAF]  }
0x2a: {  	p0 =	seq.s32 s5, $0x0;
	s5 =	sld [smem:$0x3FB0]  }
0x2b: {  	s6 =	sld [smem:$0x3FB1]  }
0x2c: {  	s7 =	sld [smem:$0x3FB2]  }
0x2d: {  	s3 =	simm.s32 $0x108;
	s8 =	sld [smem:$0x3FB3]  }
0x2e: {  	s3 =	simm.s32 @!p0 $0x1082;
	s9 =	sld [smem:$0x3FB4]  }
0x2f: {  	lr =	sadd.s32 s0, s3;
	s0 =	sld [smem:$0x3FAB]  }
0x30: {  	s3 =	sld [smem:$0x3FAE]  }
0x31: {  	[smem:$0x3FB7] =	sst s10  }
0x32: {  	s10 =	sld [smem:$0x3FB5];
	_ =	sdelay $0x3  }
0x33: {  	p0 =	seq.s32 s10, $0x1;
	s10 =	sld [smem:$0x3FB7];
	_ =	sdelay $0x3  }
0x34: {  	[smem:$0x3FB7] =	sst s10  }
0x35: {  	s10 =	sld [smem:$0x3FB6];
	_ =	sdelay $0x3  }
0x36: {  	p1 =	seq.s32 s10, $0x1;
	s10 =	sld [smem:$0x3FB7];
	_ =	sdelay $0x3  }
0x37: {  	[smem:$0x3FB7] =	sst s10  }
0x38: {  	s10 =	sld [smem:$0x3FB8]  }
0x39: {  	_ = 	snop;
	(pc) =	sbr.ind lr, $3  }
0x3a: {  	_ = 	snop  }
0x3b: {  	_ = 	snop  }
0x3c: {  	p2 =	seq.s32 s10, $0x1;
	s10 =	sld [smem:$0x3FB7]  }
0x3d: {  	_ =	shalt  }
0x3e: {  	_ =	shalt  }
0x3f: {  	_ =	shalt  }
0x40: {  	_ =	shalt  }
0x41: {  	_ =	shalt  }
0x42: {  	_ =	shalt  }
0x43: {  	_ =	shalt  }
0x44: {  	_ =	shalt  }
0x45: {  	_ =	shalt  }
0x46: {  	_ =	shalt  }
0x47: {  	_ =	shalt  }
0x48: {  	_ =	shalt  }
0x49: {  	_ =	shalt  }
0x4a: {  	_ =	shalt  }
0x4b: {  	_ =	shalt  }
0x4c: {  	_ =	shalt  }
0x4d: {  	_ =	shalt  }
0x4e: {  	_ =	shalt  }
0x4f: {  	_ =	shalt  }
0x50: {  	_ =	shalt  }
0x51: {  	_ =	shalt  }
0x52: {  	_ =	shalt  }
0x53: {  	_ =	shalt  }
0x54: {  	_ =	shalt  }
0x55: {  	_ =	shalt  }
0x56: {  	_ =	shalt  }
0x57: {  	_ =	shalt  }
0x58: {  	_ =	shalt  }
0x59: {  	_ =	shalt  }
0x5a: {  	_ =	shalt  }
0x5b: {  	_ =	shalt  }
0x5c: {  	_ =	shalt  }
0x5d: {  	_ =	shalt  }
0x5e: {  	_ =	shalt  }
0x5f: {  	_ =	shalt  }
0x60: {  	_ =	shalt  }
0x61: {  	_ =	shalt  }
0x62: {  	_ =	shalt  }
0x63: {  	_ =	shalt  }
0x64: {  	_ =	shalt  }
0x65: {  	_ =	shalt  }
0x66: {  	_ =	shalt  }
0x67: {  	_ =	shalt  }
0x68: {  	_ =	shalt  }
0x69: {  	_ =	shalt  }
0x6a: {  	_ =	shalt  }
0x6b: {  	_ =	shalt  }
0x6c: {  	_ =	shalt  }
0x6d: {  	_ =	shalt  }
0x6e: {  	_ =	shalt  }
0x6f: {  	_ =	shalt  }
0x70: {  	_ =	shalt  }
0x71: {  	_ =	shalt  }
0x72: {  	_ =	shalt  }
0x73: {  	_ =	shalt  }
0x74: {  	_ =	shalt  }
0x75: {  	_ =	shalt  }
0x76: {  	_ =	shalt  }
0x77: {  	_ =	shalt  }
0x78: {  	_ =	shalt  }
0x79: {  	_ =	shalt  }
0x7a: {  	_ =	shalt  }
0x7b: {  	_ =	shalt  }
0x7c: {  	_ =	shalt  }
0x7d: {  	_ =	shalt  }
0x7e: {  	_ =	shalt  }
0x7f: {  	_ =	shalt  }
0x80: {  	_ =	shalt  }
0x81: {  	_ =	shalt  }
0x82: {  	_ =	shalt  }
0x83: {  	_ =	shalt  }
0x84: {  	_ =	shalt  }
0x85: {  	_ =	shalt  }
0x86: {  	_ =	shalt  }
0x87: {  	_ =	shalt  }
.Lfunc_end0:
.L_simem_size_0:
called_computation_lowered:
.L_overlay_start_0:
0x88: {  	s2 =	sld [smem:$0x3FD9]  }
0x89: {  	s3 =	sld [smem:$0x3FFE];
	_ =	sdelay $0x1  }
0x8a: {  	s1 =	srdreg.scid  }
0x8b: {  	s0 =	sand.u32 $0x1, s1  }
0x8c: {  	s17 =	sshll.u32 s0, $0xA;
	s2 =	sadd.s32 s3, s2  }
0x8d: {  	s2 =	sadd.s32 s2, s17  }
0x8e: {  	[smem:$0x3FC3] =	sst s2  }
0x8f: {  	_ = 	snop  }
0x90: {  	s2 =	sld [smem:$0x3FD0];
	(tm) =	ssettm $0x1  }
0x91: {  	s18 =	sld [smem:$0x3FFB];
	_ =	sdelay $0x3  }
0x92: {  	_ =	strace s18  }
0x93: {  	s3 =	sld [smem:$0x3FFC];
	_ =	sdelay $0x3  }
0x94: {  	_ =	strace s3  }
0x95: {  	s3 =	sld [smem:$0x3FFD];
	_ =	sdelay $0x3  }
0x96: {  	_ =	strace s3  }
0x97: {  	_ =	strace $0x8FFFFFFF  }
0x98: {  	s19 =	sld [smem:$0x3FDB];
	_ =	sdelay $0x1  }
0x99: {  	s4 =	simm.s32 $_scs_section_size  }
0x9a: {  	s5 =	simm.s32 $_size__tile_overlayer_lowered;
	s6 =	simm.s32 $_tile_overlayer_lowered  }
0x9b: {  	s22 =	simm.s32 $0x1BFF;
	s21 =	sshll.u32 s6, $0x1;
	s3 =	sadd.s32 s4, s19  }
0x9c: {  	s7 =	simm.s32 $0x0;
	s20 =	sshll.u32 s5, $0x1;
	s5 =	sadd.s32 s21, s3  }
0x9d: {  	[timem:s7], [sflag:s22] =	dma.local [hbm:s5], s20  }
0x9e: {  	_ =	swait.ge [sflag:s22], s20  }
0x9f: {  	s4 =	ssub.s32 $0x0, s20;
	[sflag:s22] =	ssyncset.done $0x0  }
0xa0: {  	[sflag:s22] =	ssyncadd.s32 s4;
	_ =	sdelay $0x1  }
0xa1: {  	s23 =	simm.s32 $0x1B8B  }
0xa2: {  	_ =	swait.ge [sflag:s23], $0x1  }
0xa3: {  	[sflag:s23] =	ssyncset.done $0x0  }
0xa4: {  	s25 =	simm.s32 $0x1B8E;
	s24 =	sld [smem:$0x3FFE];
	[sflag:s23] =	ssyncadd.s32 $0xFFFFFFFF  }
0xa5: {  	s26 =	simm.s32 $execute0_lowered;
	[smem:$0x3FD2] =	sst s25  }
0xa6: {  	s5 =	sshll.u32 s26, $0x1;
	_ =	strace $0x80000046;
	[dreg:$0x1] =	wrdreg $0xFFFFFFFF  }
0xa7: {  	s28 =	simm.s32 $_size_execute0_lowered;
	s3 =	sadd.s32 s3, s5;
	[dreg:$0x0] =	wrdreg $0x0  }
0xa8: {  	s5 =	sshll.u32 s28, $0x1;
	[dreg:$0x2] =	wrdreg s3  }
0xa9: {  	[dreg:$0x3] =	wrdreg s5  }
0xaa: {  	[dreg:$0x4] =	wrdreg $0xC0  }
0xab: {  	_ =	task [dreg:s7], $0x5FFFF  }
0xac: {  	[dreg:$0x1] =	wrdreg $0xFFFFFFFF  }
0xad: {  	[dreg:$0x0] =	wrdreg $0x60  }
0xae: {  	[dreg:$0x2] =	wrdreg s2  }
0xaf: {  	[dreg:$0x3] =	wrdreg s24  }
0xb0: {  	[dreg:$0x4] =	wrdreg $0x9  }
0xb1: {  	_ =	task.clear_ibuf [dreg:s7], $0x5FFFF;
	_ =	strace $0x90000046  }
0xb2: {  	s29 =	simm.s32 $0x9;
	_ =	strace $0x80000048  }
0xb3: {  	_ =	swait.ge [sflag:s29], $0x1  }
0xb4: {  	[sflag:s29] =	ssyncadd.s32 $0xFFFFFFFF  }
0xb5: {  	_ =	strace $0x90000048  }
0xb6: {  	_ =	sfence  }
0xb7: {  	s30 =	sld [smem:$0x0];
	_ =	sdelay $0x2  }
0xb8: {  	s31 =	sshll.u32 s1, $0xD;
	s1 =	sshrl.u32 s1, $0x2  }
0xb9: {  	s3 =	sand.u32 $0x4000, s31;
	s1 =	sadd.s32 s1, s30  }
0xba: {  	s0 =	sor.u32 s3, s0;
	s1 =	sshll.u32 s1, $0x11  }
0xbb: {  	s0 =	sor.u32 s1, s0  }
0xbc: {  	s0 =	sadd.s32 $0x8F2B, s0  }
0xbd: {  	[sflag:s0] =	ssyncadd.remote.s32 $0x1  }
0xbe: {  	_ =	sfence.sel $0xFFFF  }
0xbf: {  	[dreg:$0x0] =	wrdreg $0xFFFFFFFF;
	(pc) =	sbr.abs _section_cstart, $3  }
0xc0: {  	[dreg:$0x1] =	wrdreg $0xFFFFFFFF  }
0xc1: {  	_ =	task.clear_ibuf [dreg:s7], $0x2FFFF;
	_ =	strace $0x9FFFFFFF  }
0xc2: {  	(tm) =	ssettm $0x7FFFFFFF  }
0xc3: {  	_ =	shalt  }
tec
execute0_lowered:
.L_overlay_start_1:
0x0: {  	(tag) =	ssettag $0x1  }
0x1: {  	s1 =	srdreg.scid;
	s0 =	stileid.u32  }
0x2: {  	s30 =	sand.u32 $0x1, s1;
	s26 =	sshll.u32 s0, $0x1  }
0x3: {  	s7 =	sor.u32 s30, s26  }
0x4: {  	s4 =	smul.u32 $0x140, s7  }
0x5: {  	s9 =	rddreg [dreg:$0x1]  }
0x6: {  	s2 =	rddreg [dreg:$0x0];
	s3 =	simm.s32 $0x0;
	s4 =	sadd.s32 s4, s9  }
0x7: {  	[smem:$0x7FF] =	sst s3;
	s4 =	sadd.s32 $0x41E00, s4  }
0x8: {  	_ =	strace $0x80000047;
	[dreg:$0x3] =	wrdreg s4  }
0x9: {  	s4 =	simm.s32 $0x5;
	s5 =	rddreg [dreg:$0x3]  }
0xa: {  	[tilespmem:s3], [sflag:$0x5] =	stream.linear.gather [hbm4b:s5+s3], $0xA00, $0x38;
	[tilespmem:$0x10A00] =	vst v63  }
0xb: {  	_ =	swait.ge [sflag:s4], $0xA00  }
0xc: {  	[sflag:s4] =	ssyncset.done $0x0  }
0xd: {  	s6 =	simm.s32 $0xA00;
	s5 =	simm.s32 $0x100;
	[sflag:s4] =	ssyncadd.s32 $0xFFFFF600  }
0xe: {  	[tilespmem:s6], [sflag:$0x1] =	stream.indirect.gather [hbm4b:s2+s5], $0x80, s3, s5, $0xb8;
	[tilespmem:$0x10A00] =	vst v63  }
0xf: {  	s8 =	simm.s32 $0x1;
	s10 =	smul.u32 $0xA000, s7;
	s7 =	simm.s32 $0x8A00  }
0x10: {  	[tilespmem:s7], [sflag:$0x2] =	stream.indirect.gather [hbm4b:s2+s5], $0x80, s5, s5, $0xb8;
	[tilespmem:$0x10A00] =	vst v63  }
0x11: {  	_ =	swait.ge [sflag:s8], $0x8000  }
0x12: {  	s31 =	sadd.s32 s10, s9;
	[sflag:s8] =	ssyncset.done $0x0  }
0x13: {  	s10 =	simm.s32 $0x2;
	s9 =	sadd.s32 $0x44600, s31;
	[sflag:s8] =	ssyncadd.s32 $0xFFFF8000  }
0x14: {  	[hbm4b:s9+s3] =	stream.linear.scatter [tilespmem:s6], [sflag:$0x3], $0x8000, $0x38;
	[tilespmem:$0x10A00] =	vst v63  }
0x15: {  	_ =	swait.ge [sflag:s10], $0x8000  }
0x16: {  	[sflag:s10] =	ssyncset.done $0x0  }
0x17: {  	s12 =	simm.s32 $0x3;
	s11 =	sadd.s32 $0x45600, s31;
	[sflag:s10] =	ssyncadd.s32 $0xFFFF8000  }
0x18: {  	[hbm4b:s11+s3] =	stream.linear.scatter [tilespmem:s7], [sflag:$0x4], $0x8000, $0x38;
	[tilespmem:$0x10A00] =	vst v63  }
0x19: {  	_ =	swait.ge [sflag:s12], $0x8000  }
0x1a: {  	[sflag:s12] =	ssyncset.done $0x0  }
0x1b: {  	s14 =	simm.s32 $0x200;
	s13 =	simm.s32 $0x4;
	[sflag:s12] =	ssyncadd.s32 $0xFFFF8000  }
0x1c: {  	[tilespmem:s6], [sflag:$0x1] =	stream.indirect.gather [hbm4b:s2+s5], $0x80, s14, s5, $0xb8;
	[tilespmem:$0x10A00] =	vst v63  }
0x1d: {  	_ =	swait.ge [sflag:s13], $0x8000  }
0x1e: {  	[sflag:s13] =	ssyncset.done $0x0  }
0x1f: {  	s15 =	simm.s32 $0x300;
	[sflag:s13] =	ssyncadd.s32 $0xFFFF8000  }
0x20: {  	[tilespmem:s7], [sflag:$0x2] =	stream.indirect.gather [hbm4b:s2+s5], $0x80, s15, s5, $0xb8;
	[tilespmem:$0x10A00] =	vst v63  }
0x21: {  	_ =	swait.ge [sflag:s8], $0x8000  }
0x22: {  	[sflag:s8] =	ssyncset.done $0x0  }
0x23: {  	s16 =	sadd.s32 $0x46600, s31;
	[sflag:s8] =	ssyncadd.s32 $0xFFFF8000  }
0x24: {  	[hbm4b:s16+s3] =	stream.linear.scatter [tilespmem:s6], [sflag:$0x3], $0x8000, $0x38;
	[tilespmem:$0x10A00] =	vst v63  }
0x25: {  	_ =	swait.ge [sflag:s10], $0x8000  }
0x26: {  	[sflag:s10] =	ssyncset.done $0x0  }
0x27: {  	s17 =	sadd.s32 $0x47600, s31;
	[sflag:s10] =	ssyncadd.s32 $0xFFFF8000  }
0x28: {  	[hbm4b:s17+s3] =	stream.linear.scatter [tilespmem:s7], [sflag:$0x4], $0x8000, $0x38;
	[tilespmem:$0x10A00] =	vst v63  }
0x29: {  	_ =	swait.ge [sflag:s12], $0x8000  }
0x2a: {  	[sflag:s12] =	ssyncset.done $0x0  }
0x2b: {  	s18 =	simm.s32 $0x400;
	[sflag:s12] =	ssyncadd.s32 $0xFFFF8000  }
0x2c: {  	[tilespmem:s6], [sflag:$0x1] =	stream.indirect.gather [hbm4b:s2+s5], $0x80, s18, s5, $0xb8;
	[tilespmem:$0x10A00] =	vst v63  }
0x2d: {  	_ =	swait.ge [sflag:s13], $0x8000  }
0x2e: {  	[sflag:s13] =	ssyncset.done $0x0  }
0x2f: {  	s19 =	simm.s32 $0x500;
	[sflag:s13] =	ssyncadd.s32 $0xFFFF8000  }
0x30: {  	[tilespmem:s7], [sflag:$0x2] =	stream.indirect.gather [hbm4b:s2+s5], $0x80, s19, s5, $0xb8;
	[tilespmem:$0x10A00] =	vst v63  }
0x31: {  	_ =	swait.ge [sflag:s8], $0x8000  }
0x32: {  	[sflag:s8] =	ssyncset.done $0x0  }
0x33: {  	s20 =	sadd.s32 $0x48600, s31;
	[sflag:s8] =	ssyncadd.s32 $0xFFFF8000  }
0x34: {  	[hbm4b:s20+s3] =	stream.linear.scatter [tilespmem:s6], [sflag:$0x3], $0x8000, $0x38;
	[tilespmem:$0x10A00] =	vst v63  }
0x35: {  	_ =	swait.ge [sflag:s10], $0x8000  }
0x36: {  	[sflag:s10] =	ssyncset.done $0x0  }
0x37: {  	s21 =	sadd.s32 $0x49600, s31;
	[sflag:s10] =	ssyncadd.s32 $0xFFFF8000  }
0x38: {  	[hbm4b:s21+s3] =	stream.linear.scatter [tilespmem:s7], [sflag:$0x4], $0x8000, $0x38;
	[tilespmem:$0x10A00] =	vst v63  }
0x39: {  	_ =	swait.ge [sflag:s12], $0x8000  }
0x3a: {  	[sflag:s12] =	ssyncset.done $0x0  }
0x3b: {  	s22 =	simm.s32 $0x600;
	[sflag:s12] =	ssyncadd.s32 $0xFFFF8000  }
0x3c: {  	[tilespmem:s6], [sflag:$0x1] =	stream.indirect.gather [hbm4b:s2+s5], $0x80, s22, s5, $0xb8;
	[tilespmem:$0x10A00] =	vst v63  }
0x3d: {  	_ =	swait.ge [sflag:s13], $0x8000  }
0x3e: {  	[sflag:s13] =	ssyncset.done $0x0  }
0x3f: {  	s23 =	simm.s32 $0x700;
	[sflag:s13] =	ssyncadd.s32 $0xFFFF8000  }
0x40: {  	[tilespmem:s7], [sflag:$0x2] =	stream.indirect.gather [hbm4b:s2+s5], $0x80, s23, s5, $0xb8;
	[tilespmem:$0x10A00] =	vst v63  }
0x41: {  	_ =	swait.ge [sflag:s8], $0x8000  }
0x42: {  	[sflag:s8] =	ssyncset.done $0x0  }
0x43: {  	s24 =	sadd.s32 $0x4A600, s31;
	[sflag:s8] =	ssyncadd.s32 $0xFFFF8000  }
0x44: {  	[hbm4b:s24+s3] =	stream.linear.scatter [tilespmem:s6], [sflag:$0x3], $0x8000, $0x38;
	[tilespmem:$0x10A00] =	vst v63  }
0x45: {  	_ =	swait.ge [sflag:s10], $0x8000  }
0x46: {  	[sflag:s10] =	ssyncset.done $0x0  }
0x47: {  	s25 =	sadd.s32 $0x4B600, s31;
	[sflag:s10] =	ssyncadd.s32 $0xFFFF8000  }
0x48: {  	[hbm4b:s25+s3] =	stream.linear.scatter [tilespmem:s7], [sflag:$0x4], $0x8000, $0x38;
	[tilespmem:$0x10A00] =	vst v63  }
0x49: {  	_ =	swait.ge [sflag:s12], $0x8000  }
0x4a: {  	[sflag:s12] =	ssyncset.done $0x0  }
0x4b: {  	s26 =	simm.s32 $0x800;
	[sflag:s12] =	ssyncadd.s32 $0xFFFF8000  }
0x4c: {  	[tilespmem:s6], [sflag:$0x1] =	stream.indirect.gather [hbm4b:s2+s5], $0x80, s26, s5, $0xb8;
	[tilespmem:$0x10A00] =	vst v63  }
0x4d: {  	_ =	swait.ge [sflag:s13], $0x8000  }
0x4e: {  	[sflag:s13] =	ssyncset.done $0x0  }
0x4f: {  	s28 =	simm.s32 $0x900;
	[sflag:s13] =	ssyncadd.s32 $0xFFFF8000  }
0x50: {  	[tilespmem:s7], [sflag:$0x2] =	stream.indirect.gather [hbm4b:s2+s5], $0x80, s28, s5, $0xb8;
	[tilespmem:$0x10A00] =	vst v63  }
0x51: {  	_ =	swait.ge [sflag:s8], $0x8000  }
0x52: {  	s1 =	ssub.s32 $0x2, s30;
	s29 =	sadd.s32 $0x4C600, s31;
	[sflag:s8] =	ssyncset.done $0x0  }
0x53: {  	s30 =	sadd.s32 $0x4D600, s31;
	s31 =	sshrl.u32 s1, $0x1;
	[sflag:s8] =	ssyncadd.s32 $0xFFFF8000  }
0x54: {  	[hbm4b:s29+s3] =	stream.linear.scatter [tilespmem:s6], [sflag:$0x3], $0x8000, $0x38;
	[tilespmem:$0x10A00] =	vst v63  }
0x55: {  	s1 =	ssub.s32 s1, s31;
	_ =	swait.ge [sflag:s10], $0x8000  }
0x56: {  	s1 =	smax.u32 s1, $0x1;
	[sflag:s10] =	ssyncset.done $0x0  }
0x57: {  	p0 =	sne.s32 s1, $0x1;
	[sflag:s10] =	ssyncadd.s32 $0xFFFF8000  }
0x58: {  	[hbm4b:s30+s3] =	stream.linear.scatter [tilespmem:s7], [sflag:$0x4], $0x8000, $0x38;
	[tilespmem:$0x10A00] =	vst v63  }
.Ltmp0:
0x59: {  	_ =	swait.ge [sflag:s12], $0x8000;
	(pc) =	sbr.rel @!p0 .LBB2_2-.Ltmp0, $4  }
0x5a: {  	[sflag:s12] =	ssyncset.done $0x0  }
0x5b: {  	[sflag:s12] =	ssyncadd.s32 $0xFFFF8000  }
0x5c: {  	_ =	swait.ge [sflag:s13], $0x8000  }
0x5d: {  	s31 =	sadd.s32 $0xFFFFFFFF, s1;
	[sflag:s13] =	ssyncset.done $0x0  }
.LBB2_1:
0x5e: {  	s1 =	rddreg [dreg:$0x3];
	[sflag:s13] =	ssyncadd.s32 $0xFFFF8000  }
0x5f: {  	[tilespmem:s3], [sflag:$0x5] =	stream.linear.gather [hbm4b:s1+s3], $0xA00, $0x38;
	[tilespmem:$0x10A00] =	vst v63  }
0x60: {  	_ =	swait.ge [sflag:s4], $0xA00  }
0x61: {  	[sflag:s4] =	ssyncset.done $0x0  }
0x62: {  	[sflag:s4] =	ssyncadd.s32 $0xFFFFF600  }
0x63: {  	[tilespmem:s6], [sflag:$0x1] =	stream.indirect.gather [hbm4b:s2+s5], $0x80, s3, s5, $0xb8;
	[tilespmem:$0x10A00] =	vst v63  }
0x64: {  	_ = 	snop  }
0x65: {  	[tilespmem:s7], [sflag:$0x2] =	stream.indirect.gather [hbm4b:s2+s5], $0x80, s5, s5, $0xb8;
	[tilespmem:$0x10A00] =	vst v63  }
0x66: {  	_ =	swait.ge [sflag:s8], $0x8000  }
0x67: {  	[sflag:s8] =	ssyncset.done $0x0  }
0x68: {  	[sflag:s8] =	ssyncadd.s32 $0xFFFF8000  }
0x69: {  	[hbm4b:s9+s3] =	stream.linear.scatter [tilespmem:s6], [sflag:$0x3], $0x8000, $0x38;
	[tilespmem:$0x10A00] =	vst v63  }
0x6a: {  	_ =	swait.ge [sflag:s10], $0x8000  }
0x6b: {  	[sflag:s10] =	ssyncset.done $0x0  }
0x6c: {  	[sflag:s10] =	ssyncadd.s32 $0xFFFF8000  }
0x6d: {  	[hbm4b:s11+s3] =	stream.linear.scatter [tilespmem:s7], [sflag:$0x4], $0x8000, $0x38;
	[tilespmem:$0x10A00] =	vst v63  }
0x6e: {  	_ =	swait.ge [sflag:s12], $0x8000  }
0x6f: {  	[sflag:s12] =	ssyncset.done $0x0  }
0x70: {  	[sflag:s12] =	ssyncadd.s32 $0xFFFF8000  }
0x71: {  	[tilespmem:s6], [sflag:$0x1] =	stream.indirect.gather [hbm4b:s2+s5], $0x80, s14, s5, $0xb8;
	[tilespmem:$0x10A00] =	vst v63  }
0x72: {  	_ =	swait.ge [sflag:s13], $0x8000  }
0x73: {  	[sflag:s13] =	ssyncset.done $0x0  }
0x74: {  	[sflag:s13] =	ssyncadd.s32 $0xFFFF8000  }
0x75: {  	[tilespmem:s7], [sflag:$0x2] =	stream.indirect.gather [hbm4b:s2+s5], $0x80, s15, s5, $0xb8;
	[tilespmem:$0x10A00] =	vst v63  }
0x76: {  	_ =	swait.ge [sflag:s8], $0x8000  }
0x77: {  	[sflag:s8] =	ssyncset.done $0x0  }
0x78: {  	[sflag:s8] =	ssyncadd.s32 $0xFFFF8000  }
0x79: {  	[hbm4b:s16+s3] =	stream.linear.scatter [tilespmem:s6], [sflag:$0x3], $0x8000, $0x38;
	[tilespmem:$0x10A00] =	vst v63  }
0x7a: {  	_ =	swait.ge [sflag:s10], $0x8000  }
0x7b: {  	[sflag:s10] =	ssyncset.done $0x0  }
0x7c: {  	[sflag:s10] =	ssyncadd.s32 $0xFFFF8000  }
0x7d: {  	[hbm4b:s17+s3] =	stream.linear.scatter [tilespmem:s7], [sflag:$0x4], $0x8000, $0x38;
	[tilespmem:$0x10A00] =	vst v63  }
0x7e: {  	_ =	swait.ge [sflag:s12], $0x8000  }
0x7f: {  	[sflag:s12] =	ssyncset.done $0x0  }
0x80: {  	[sflag:s12] =	ssyncadd.s32 $0xFFFF8000  }
0x81: {  	[tilespmem:s6], [sflag:$0x1] =	stream.indirect.gather [hbm4b:s2+s5], $0x80, s18, s5, $0xb8;
	[tilespmem:$0x10A00] =	vst v63  }
0x82: {  	_ =	swait.ge [sflag:s13], $0x8000  }
0x83: {  	[sflag:s13] =	ssyncset.done $0x0  }
0x84: {  	[sflag:s13] =	ssyncadd.s32 $0xFFFF8000  }
0x85: {  	[tilespmem:s7], [sflag:$0x2] =	stream.indirect.gather [hbm4b:s2+s5], $0x80, s19, s5, $0xb8;
	[tilespmem:$0x10A00] =	vst v63  }
0x86: {  	_ =	swait.ge [sflag:s8], $0x8000  }
0x87: {  	[sflag:s8] =	ssyncset.done $0x0  }
0x88: {  	[sflag:s8] =	ssyncadd.s32 $0xFFFF8000  }
0x89: {  	[hbm4b:s20+s3] =	stream.linear.scatter [tilespmem:s6], [sflag:$0x3], $0x8000, $0x38;
	[tilespmem:$0x10A00] =	vst v63  }
0x8a: {  	_ =	swait.ge [sflag:s10], $0x8000  }
0x8b: {  	[sflag:s10] =	ssyncset.done $0x0  }
0x8c: {  	[sflag:s10] =	ssyncadd.s32 $0xFFFF8000  }
0x8d: {  	[hbm4b:s21+s3] =	stream.linear.scatter [tilespmem:s7], [sflag:$0x4], $0x8000, $0x38;
	[tilespmem:$0x10A00] =	vst v63  }
0x8e: {  	_ =	swait.ge [sflag:s12], $0x8000  }
0x8f: {  	[sflag:s12] =	ssyncset.done $0x0  }
0x90: {  	[sflag:s12] =	ssyncadd.s32 $0xFFFF8000  }
0x91: {  	[tilespmem:s6], [sflag:$0x1] =	stream.indirect.gather [hbm4b:s2+s5], $0x80, s22, s5, $0xb8;
	[tilespmem:$0x10A00] =	vst v63  }
0x92: {  	_ =	swait.ge [sflag:s13], $0x8000  }
0x93: {  	[sflag:s13] =	ssyncset.done $0x0  }
0x94: {  	[sflag:s13] =	ssyncadd.s32 $0xFFFF8000  }
0x95: {  	[tilespmem:s7], [sflag:$0x2] =	stream.indirect.gather [hbm4b:s2+s5], $0x80, s23, s5, $0xb8;
	[tilespmem:$0x10A00] =	vst v63  }
0x96: {  	_ =	swait.ge [sflag:s8], $0x8000  }
0x97: {  	[sflag:s8] =	ssyncset.done $0x0  }
0x98: {  	[sflag:s8] =	ssyncadd.s32 $0xFFFF8000  }
0x99: {  	[hbm4b:s24+s3] =	stream.linear.scatter [tilespmem:s6], [sflag:$0x3], $0x8000, $0x38;
	[tilespmem:$0x10A00] =	vst v63  }
0x9a: {  	_ =	swait.ge [sflag:s10], $0x8000  }
0x9b: {  	[sflag:s10] =	ssyncset.done $0x0  }
0x9c: {  	[sflag:s10] =	ssyncadd.s32 $0xFFFF8000  }
0x9d: {  	[hbm4b:s25+s3] =	stream.linear.scatter [tilespmem:s7], [sflag:$0x4], $0x8000, $0x38;
	[tilespmem:$0x10A00] =	vst v63  }
0x9e: {  	_ =	swait.ge [sflag:s12], $0x8000  }
0x9f: {  	[sflag:s12] =	ssyncset.done $0x0  }
0xa0: {  	[sflag:s12] =	ssyncadd.s32 $0xFFFF8000  }
0xa1: {  	[tilespmem:s6], [sflag:$0x1] =	stream.indirect.gather [hbm4b:s2+s5], $0x80, s26, s5, $0xb8;
	[tilespmem:$0x10A00] =	vst v63  }
0xa2: {  	_ =	swait.ge [sflag:s13], $0x8000  }
0xa3: {  	[sflag:s13] =	ssyncset.done $0x0  }
0xa4: {  	[sflag:s13] =	ssyncadd.s32 $0xFFFF8000  }
0xa5: {  	[tilespmem:s7], [sflag:$0x2] =	stream.indirect.gather [hbm4b:s2+s5], $0x80, s28, s5, $0xb8;
	[tilespmem:$0x10A00] =	vst v63  }
0xa6: {  	_ =	swait.ge [sflag:s8], $0x8000  }
0xa7: {  	[sflag:s8] =	ssyncset.done $0x0  }
0xa8: {  	[sflag:s8] =	ssyncadd.s32 $0xFFFF8000  }
0xa9: {  	[hbm4b:s29+s3] =	stream.linear.scatter [tilespmem:s6], [sflag:$0x3], $0x8000, $0x38;
	[tilespmem:$0x10A00] =	vst v63  }
0xaa: {  	_ =	swait.ge [sflag:s10], $0x8000  }
0xab: {  	[sflag:s10] =	ssyncset.done $0x0  }
0xac: {  	p0 =	sne.s32 s31, $0x1;
	[sflag:s10] =	ssyncadd.s32 $0xFFFF8000  }
0xad: {  	[hbm4b:s30+s3] =	stream.linear.scatter [tilespmem:s7], [sflag:$0x4], $0x8000, $0x38;
	[tilespmem:$0x10A00] =	vst v63  }
.Ltmp1:
0xae: {  	_ =	swait.ge [sflag:s12], $0x8000;
	(pc) =	sbr.rel @p0 .LBB2_1-.Ltmp1, $4  }
0xaf: {  	[sflag:s12] =	ssyncset.done $0x0  }
0xb0: {  	[sflag:s12] =	ssyncadd.s32 $0xFFFF8000  }
0xb1: {  	_ =	swait.ge [sflag:s13], $0x8000  }
0xb2: {  	s31 =	sadd.s32 $0xFFFFFFFF, s31;
	[sflag:s13] =	ssyncset.done $0x0  }
.LBB2_2:
0xb3: {  	[sflag:s13] =	ssyncadd.s32 $0xFFFF8000  }
0xb4: {  	_ =	sfence.sel $0x180000  }
0xb5: {  	[bflag:$0x0] =	sbarrier.arrive $0xFFFF  }
0xb6: {  	_ =	strace $0x90000047  }
0xb7: {  	[bflag:$0x2] =	sbarrier.arrive $0xFFFF  }
0xb8: {  	p0 =	sne.s32 s0, $0x0;
	s0 =	rddreg [dreg:$0x2]  }
0xb9: {  	s0 =	sadd.s32 @!p0 $0x100000, s0  }
0xba: {  	[sflag:s0] =	ssyncadd.tile.s32 @!p0 $0x1;
	_ =	shalt  }
.Lfunc_end2:
_tile_overlayer_lowered:
.L_overlay_start_2:
0xbb: {  	(tag) =	ssettag $0x2  }
0xbc: {  	s0 =	rddreg [dreg:$0x0];
	s2 =	stileid.u32  }
0xbd: {  	s1 =	rddreg [dreg:$0x1];
	p0 =	sne.s32 s2, $0x0  }
0xbe: {  	s3 =	rddreg [dreg:$0x2];
	[bflag:$0x3] =	sbarrier.arrive $0xFFFF;
	s2 =	simm.s32 @!p0 $0x1C05  }
0xbf: {  	[timem:s3], [sflag:s2] =	dma.local @!p0 [hbm:s0], s1  }
0xc0: {  	s0 =	simm.s32 @!p0 $0x5  }
0xc1: {  	_ =	swait.ge @!p0 [sflag:s0], s1  }
0xc2: {  	s1 =	ssub.s32 @!p0 $0x0, s1;
	[sflag:s0] =	ssyncset.done @!p0 $0x0  }
0xc3: {  	[sflag:s0] =	ssyncadd.s32 @!p0 s1  }
0xc4: {  	[bflag:$0x3] =	sbarrier.arrive $0xFFFF  }
0xc5: {  	_ =	shalt  }

</sc_bundles>
